<compile_context>
chip_gen: v7x
topology: tpu7x:2x2x1
jax: 0.10.2.dev20260603
libtpu: 0.0.44.dev20260713+nightly
codegen_flags: <defaults>
</compile_context>

<pallas_src>
import functools

import jax
import jax.numpy as jnp
from jax import lax
from jax.experimental import pallas as pl
from jax.experimental.pallas import tpu as pltpu
from jax.experimental.pallas import tpu_sc as plsc

Q = 1024
D = 128
K = 100000
NN = 32

BK = 2048
CW = 256
NKT = (K + BK - 1) // BK
K_PAD = NKT * BK

_BIG = 3.0e38
_BIGI = 2**31 - 1


def _topk_kernel(qt_ref, tp_ref, oidx_ref, rv_ref, ri_ref, s_ref):
    kt = pl.program_id(0)

    @pl.when(kt == 0)
    def _init():
        rv_ref[...] = jnp.full((NN, Q), _BIG, jnp.float32)
        ri_ref[...] = jnp.full((NN, Q), _BIGI, jnp.int32)

    tpb = tp_ref[...]
    qt = qt_ref[...]
    t2 = jnp.sum(tpb * tpb, axis=1, keepdims=True)
    s = t2 - 2.0 * jnp.dot(tpb, qt, preferred_element_type=jnp.float32)

    row = lax.broadcasted_iota(jnp.int32, (BK, Q), 0)
    s = jnp.where(row + kt * BK >= K, _BIG, s)
    s_ref[...] = s

    slot = lax.broadcasted_iota(jnp.int32, (NN, Q), 0)
    crow = lax.broadcasted_iota(jnp.int32, (CW, Q), 0)

    for c in range(BK // CW):
        base = c * CW + kt * BK
        tau = rv_ref[NN - 1:NN, :]
        sc = s_ref[c * CW:(c + 1) * CW, :]
        cnt = jnp.sum((sc <= tau).astype(jnp.int32), axis=0, keepdims=True)
        need = jnp.max(jnp.minimum(cnt, NN))

        def body(j, carry):
            sv = s_ref[c * CW:(c + 1) * CW, :]
            m = jnp.min(sv, axis=0, keepdims=True)
            sel = jnp.min(jnp.where(sv == m, crow, _BIGI), axis=0,
                          keepdims=True)
            s_ref[c * CW:(c + 1) * CW, :] = jnp.where(crow == sel, _BIG, sv)
            gsel = sel + base
            rv = rv_ref[...]
            ri = ri_ref[...]
            before = (rv < m) | ((rv == m) & (ri < gsel))
            pos = jnp.sum(before.astype(jnp.int32), axis=0, keepdims=True)
            rvs = pltpu.roll(rv, 1, axis=0)
            ris = pltpu.roll(ri, 1, axis=0)
            rv_ref[...] = jnp.where(slot < pos, rv,
                                    jnp.where(slot == pos, m, rvs))
            ri_ref[...] = jnp.where(slot < pos, ri,
                                    jnp.where(slot == pos, gsel, ris))
            return carry

        lax.fori_loop(0, need, body, 0)

    @pl.when(kt == NKT - 1)
    def _out():
        oidx_ref[...] = ri_ref[...]


def _topk_indices(qt, tp_pad):
    return pl.pallas_call(
        _topk_kernel,
        grid=(NKT,),
        in_specs=[
            pl.BlockSpec((D, Q), lambda k: (0, 0)),
            pl.BlockSpec((BK, D), lambda k: (k, 0)),
        ],
        out_specs=pl.BlockSpec((NN, Q), lambda k: (0, 0)),
        out_shape=jax.ShapeDtypeStruct((NN, Q), jnp.int32),
        scratch_shapes=[
            pltpu.VMEM((NN, Q), jnp.float32),
            pltpu.VMEM((NN, Q), jnp.int32),
            pltpu.VMEM((BK, Q), jnp.float32),
        ],
    )(qt, tp_pad)



NC = 2
NS = 16
NW = NC * NS
QPW = Q // NW


def _gather_mean(target_data, idx_flat):
    mesh = plsc.VectorSubcoreMesh(
        core_axis_name="c", subcore_axis_name="s", num_cores=NC,
        num_subcores=NS)

    @functools.partial(
        pl.kernel,
        out_type=jax.ShapeDtypeStruct((Q, D), jnp.float32),
        mesh=mesh,
        scratch_types=[
            pltpu.VMEM((QPW * NN,), jnp.int32),
            pltpu.VMEM((NN, D), jnp.float32),
            pltpu.VMEM((QPW, D), jnp.float32),
            pltpu.SemaphoreType.DMA,
        ],
    )
    def sc_kernel(table_hbm, idx_hbm, out_hbm, idx_v, rows_v, ostage_v, sem):
        wid = lax.axis_index("s") * NC + lax.axis_index("c")
        qbase = wid * QPW
        pltpu.sync_copy(idx_hbm.at[pl.ds(qbase * NN, QPW * NN)], idx_v)

        def per_query(qi, carry):
            off = pl.multiple_of(qi * NN, 8)
            pltpu.async_copy(
                table_hbm.at[idx_v.at[pl.ds(off, NN)]], rows_v, sem).wait()
            for c in range(D // 16):
                def body(r, acc):
                    return acc + rows_v[r, pl.ds(c * 16, 16)]
                acc = lax.fori_loop(0, NN, body, jnp.zeros((16,), jnp.float32))
                ostage_v[qi, pl.ds(c * 16, 16)] = acc * (1.0 / NN)
            return carry

        lax.fori_loop(0, QPW, per_query, 0)
        pltpu.sync_copy(ostage_v, out_hbm.at[pl.ds(qbase, QPW)])

    return sc_kernel(target_data, idx_flat)


def kernel(inputs, target_data):
    tp_pad = jnp.pad(target_data, ((0, K_PAD - K), (0, 0)))
    idx = _topk_indices(inputs.T, tp_pad)
    return _gather_mean(target_data, idx.T.reshape(-1))

# --- scband reference (transcript-rebuilt; emitter-appended) ---
"""Pipeline reference for scband-knnclayer-71966472011988 (READ-ONLY COPY).

The authoritative reference and input builder live on the scoring server;
editing this copy changes nothing except your own understanding.
"""

import jax, jax.numpy as jnp
import numpy as np

N_NEIGHBORS = 32


def setup_inputs(seed: int = 0) -> dict:
    key = jax.random.key(seed)
    k1, k2 = jax.random.split(key)
    inputs = jax.random.normal(k1, (1024, 128), dtype=jnp.float32)
    target_data = jax.random.normal(k2, (100000, 128), dtype=jnp.float32)
    return {"inputs": inputs, "target_data": target_data}


def reference(inputs, target_data):
    # Euclidean distance from each query to every target row.
    # distances = sqrt(sum((q - t)^2)) computed via the expansion
    # ||q||^2 + ||t||^2 - 2 q.t  (same math, avoids a [Q, K, d] broadcast).
    q2 = jnp.sum(inputs * inputs, axis=1, keepdims=True)            # [Q, 1]
    t2 = jnp.sum(target_data * target_data, axis=1)[None, :]        # [1, K]
    d2 = q2 + t2 - 2.0 * (inputs @ target_data.T)                   # [Q, K]
    distances = jnp.sqrt(jnp.maximum(d2, 1e-12))
    # nearest neighbors: top-k of negated distances
    _, idx = jax.lax.top_k(-distances, N_NEIGHBORS)                 # [Q, k]
    neighbors = jnp.take(target_data, idx, axis=0)                  # [Q, k, d]
    predicted_values = jnp.mean(neighbors, axis=1)                  # [Q, d]
    return predicted_values

if __name__ == "__main__":
    import jax
    _d = setup_inputs()
    print(jax.jit(kernel)(*tuple(_d.values())))

</pallas_src>

<mosaic_0001>
#map = affine_map<(d0, d1) -> (0, 0)>
#map1 = affine_map<(d0, d1) -> (0)>
module attributes {stable_mosaic.version = 14 : i64} {
  func.func @sc_kernel(%arg0: i32, %arg1: i32, %arg2: memref<100000x128xf32, #tpu.memory_space<hbm>>, %arg3: memref<32768xi32, #tpu.memory_space<hbm>>, %arg4: memref<1024x128xf32, #tpu.memory_space<hbm>>, %arg5: memref<1024xi32, #tpu.memory_space<vmem>>, %arg6: memref<32x128xf32, #tpu.memory_space<vmem>>, %arg7: memref<32x128xf32, #tpu.memory_space<vmem>>, %arg8: memref<!tpu.dma_semaphore, #tpu.memory_space<semaphore_mem>>) attributes {dimension_semantics = [#tpu.dimension_semantics<core_parallel>, #tpu.dimension_semantics<subcore_parallel>], iteration_bounds = array<i64: 2, 16>, scalar_prefetch = 0 : i64, scratch_operands = 4 : i64, tpu.core_type = #tpu.core_type<sc_vector_subcore>, window_params = [{transform_indices = #map}, {transform_indices = #map1}, {transform_indices = #map}]} {
    %mul3A = arith.constant 2 : i32
    %mul3A_0 = arith.muli %arg1, %mul3A : i32
    %add3A = arith.addi %mul3A_0, %arg0 : i32
    %mul3A_1 = arith.constant 32 : i32
    %mul3A_2 = arith.muli %add3A, %mul3A_1 : i32
    %mul3A_3 = arith.constant 32 : i32
    %mul3A_4 = arith.muli %mul3A_2, %mul3A_3 : i32
    "tpu.region"() ({
      %run_scoped3A = tpu.sem_alloc : memref<!tpu.dma_semaphore, #tpu.memory_space<semaphore_mem>>
      %dma_start3A = tpu.memref_slice %arg3[%mul3A_4] : memref<32768xi32, #tpu.memory_space<hbm>> -> memref<1024xi32, #tpu.memory_space<hbm>>
      %dma_start3A_10 = tpu.memref_slice %arg3[%mul3A_4] : memref<32768xi32, #tpu.memory_space<hbm>> -> memref<1024xi32, #tpu.memory_space<hbm>>
      tpu.enqueue_dma source(%dma_start3A_10 : memref<1024xi32, #tpu.memory_space<hbm>>) target(%arg5 : memref<1024xi32, #tpu.memory_space<vmem>>) target_semaphore(%run_scoped3A : memref<!tpu.dma_semaphore, #tpu.memory_space<semaphore_mem>>)
      %dma_wait3A = tpu.memref_slice %arg3[%mul3A_4] : memref<32768xi32, #tpu.memory_space<hbm>> -> memref<1024xi32, #tpu.memory_space<hbm>>
      %dma_wait3A_11 = tpu.memref_slice %arg3[%mul3A_4] : memref<32768xi32, #tpu.memory_space<hbm>> -> memref<1024xi32, #tpu.memory_space<hbm>>
      tpu.wait_dma2 semaphore(%run_scoped3A : memref<!tpu.dma_semaphore, #tpu.memory_space<semaphore_mem>>) src(%dma_wait3A_11 : memref<1024xi32, #tpu.memory_space<hbm>>) dst(%arg5 : memref<1024xi32, #tpu.memory_space<vmem>>)
      tpu.yield
    }) : () -> ()
    %scan3A = arith.constant 0 : i32
    %scan3A_5 = arith.constant 0 : i32
    %scan3A_6 = arith.constant 32 : i32
    %scan3A_7 = arith.addi %scan3A_5, %scan3A_6 : i32
    %scan3A_8 = arith.constant 1 : i32
    scf.for %scan3A_10 = %scan3A_5 to %scan3A_7 step %scan3A_8  : i32 {
      %mul3A_11 = arith.constant 32 : i32
      %mul3A_12 = arith.muli %scan3A_10, %mul3A_11 : i32
      %multiple_of3A = tpu.assume_multiple %mul3A_12, 8 : i32
      %dma_start3A = tpu.memref_slice %arg5[%multiple_of3A] : memref<1024xi32, #tpu.memory_space<vmem>> -> memref<32xi32, #tpu.memory_space<vmem>>
      %dma_start3A_13 = arith.constant 0 : i32
      %dma_start3A_14 = arith.constant 0 : i32
      %dma_start3A_15 = tpu.memref_slice %arg2[%dma_start3A_13, %dma_start3A_14] : memref<100000x128xf32, #tpu.memory_space<hbm>> -> memref<100000x128xf32, #tpu.memory_space<hbm>>
      tpu.enqueue_indirect_dma source(%dma_start3A_15 : memref<100000x128xf32, #tpu.memory_space<hbm>>) target(%arg6 : memref<32x128xf32, #tpu.memory_space<vmem>>) offsets(%dma_start3A : memref<32xi32, #tpu.memory_space<vmem>>) semaphore(%arg8 : memref<!tpu.dma_semaphore, #tpu.memory_space<semaphore_mem>>)
      %dma_wait3A = tpu.memref_slice %arg5[%multiple_of3A] : memref<1024xi32, #tpu.memory_space<vmem>> -> memref<32xi32, #tpu.memory_space<vmem>>
      %dma_wait3A_16 = arith.constant 0 : i32
      %dma_wait3A_17 = arith.constant 0 : i32
      %dma_wait3A_18 = tpu.memref_slice %arg2[%dma_wait3A_16, %dma_wait3A_17] : memref<100000x128xf32, #tpu.memory_space<hbm>> -> memref<100000x128xf32, #tpu.memory_space<hbm>>
      tpu.wait_indirect_dma semaphore(%arg8 : memref<!tpu.dma_semaphore, #tpu.memory_space<semaphore_mem>>) src(%dma_wait3A_18 : memref<100000x128xf32, #tpu.memory_space<hbm>>) dst(%arg6 : memref<32x128xf32, #tpu.memory_space<vmem>>)
      %broadcast_in_dim3A = arith.constant 0.000000e+00 : f32
      %broadcast_in_dim3A_19 = vector.broadcast %broadcast_in_dim3A : f32 to vector<16xf32>
      %scan3A_20 = arith.constant 0 : i32
      %scan3A_21 = arith.constant 32 : i32
      %scan3A_22 = arith.addi %scan3A_20, %scan3A_21 : i32
      %scan3A_23 = arith.constant 1 : i32
      %scan3A_24 = scf.for %scan3A_145 = %scan3A_20 to %scan3A_22 step %scan3A_23 iter_args(%scan3A_146 = %broadcast_in_dim3A_19) -> (vector<16xf32>)  : i32 {
        %get3A = arith.index_cast %scan3A_145 : i32 to index
        %get3A_147 = arith.constant 0 : index
        %get3A_148 = tpu.vector_load %arg6[%get3A, %get3A_147] {strides = array<i32>} : memref<32x128xf32, #tpu.memory_space<vmem>>, vector<1x16xf32>,
        %get3A_149 = vector.shape_cast %get3A_148 : vector<1x16xf32> to vector<16xf32>
        %add3A_150 = arith.addf %scan3A_146, %get3A_149 : vector<16xf32>
        scf.yield %add3A_150 : vector<16xf32>
      }
      %scan3A_25 = arith.constant 32 : i32
      %mul3A_26 = arith.constant 3.125000e-02 : f32
      %mul3A_27 = vector.broadcast %mul3A_26 : f32 to vector<16xf32>
      %mul3A_28 = arith.mulf %scan3A_24, %mul3A_27 : vector<16xf32>
      %swap3A = arith.index_cast %scan3A_10 : i32 to index
      %swap3A_29 = arith.constant 0 : index
      %swap3A_30 = tpu.vector_load %arg7[%swap3A, %swap3A_29] {strides = array<i32>} : memref<32x128xf32, #tpu.memory_space<vmem>>, vector<1x16xf32>,
      %swap3A_31 = vector.shape_cast %swap3A_30 : vector<1x16xf32> to vector<16xf32>
      %swap3A_32 = vector.shape_cast %mul3A_28 : vector<16xf32> to vector<1x16xf32>
      tpu.vector_store %arg7[%swap3A, %swap3A_29], %swap3A_32 {strides = array<i32>} : memref<32x128xf32, #tpu.memory_space<vmem>>, vector<1x16xf32>,
      %broadcast_in_dim3A_33 = arith.constant 0.000000e+00 : f32
      %broadcast_in_dim3A_34 = vector.broadcast %broadcast_in_dim3A_33 : f32 to vector<16xf32>
      %scan3A_35 = arith.constant 0 : i32
      %scan3A_36 = arith.constant 32 : i32
      %scan3A_37 = arith.addi %scan3A_35, %scan3A_36 : i32
      %scan3A_38 = arith.constant 1 : i32
      %scan3A_39 = scf.for %scan3A_145 = %scan3A_35 to %scan3A_37 step %scan3A_38 iter_args(%scan3A_146 = %broadcast_in_dim3A_34) -> (vector<16xf32>)  : i32 {
        %get3A = arith.index_cast %scan3A_145 : i32 to index
        %get3A_147 = arith.constant 16 : index
        %get3A_148 = tpu.vector_load %arg6[%get3A, %get3A_147] {strides = array<i32>} : memref<32x128xf32, #tpu.memory_space<vmem>>, vector<1x16xf32>,
        %get3A_149 = vector.shape_cast %get3A_148 : vector<1x16xf32> to vector<16xf32>
        %add3A_150 = arith.addf %scan3A_146, %get3A_149 : vector<16xf32>
        scf.yield %add3A_150 : vector<16xf32>
      }
      %scan3A_40 = arith.constant 32 : i32
      %mul3A_41 = arith.constant 3.125000e-02 : f32
      %mul3A_42 = vector.broadcast %mul3A_41 : f32 to vector<16xf32>
      %mul3A_43 = arith.mulf %scan3A_39, %mul3A_42 : vector<16xf32>
      %swap3A_44 = arith.index_cast %scan3A_10 : i32 to index
      %swap3A_45 = arith.constant 16 : index
      %swap3A_46 = tpu.vector_load %arg7[%swap3A_44, %swap3A_45] {strides = array<i32>} : memref<32x128xf32, #tpu.memory_space<vmem>>, vector<1x16xf32>,
      %swap3A_47 = vector.shape_cast %swap3A_46 : vector<1x16xf32> to vector<16xf32>
      %swap3A_48 = vector.shape_cast %mul3A_43 : vector<16xf32> to vector<1x16xf32>
      tpu.vector_store %arg7[%swap3A_44, %swap3A_45], %swap3A_48 {strides = array<i32>} : memref<32x128xf32, #tpu.memory_space<vmem>>, vector<1x16xf32>,
      %broadcast_in_dim3A_49 = arith.constant 0.000000e+00 : f32
      %broadcast_in_dim3A_50 = vector.broadcast %broadcast_in_dim3A_49 : f32 to vector<16xf32>
      %scan3A_51 = arith.constant 0 : i32
      %scan3A_52 = arith.constant 32 : i32
      %scan3A_53 = arith.addi %scan3A_51, %scan3A_52 : i32
      %scan3A_54 = arith.constant 1 : i32
      %scan3A_55 = scf.for %scan3A_145 = %scan3A_51 to %scan3A_53 step %scan3A_54 iter_args(%scan3A_146 = %broadcast_in_dim3A_50) -> (vector<16xf32>)  : i32 {
        %get3A = arith.index_cast %scan3A_145 : i32 to index
        %get3A_147 = arith.constant 32 : index
        %get3A_148 = tpu.vector_load %arg6[%get3A, %get3A_147] {strides = array<i32>} : memref<32x128xf32, #tpu.memory_space<vmem>>, vector<1x16xf32>,
        %get3A_149 = vector.shape_cast %get3A_148 : vector<1x16xf32> to vector<16xf32>
        %add3A_150 = arith.addf %scan3A_146, %get3A_149 : vector<16xf32>
        scf.yield %add3A_150 : vector<16xf32>
      }
      %scan3A_56 = arith.constant 32 : i32
      %mul3A_57 = arith.constant 3.125000e-02 : f32
      %mul3A_58 = vector.broadcast %mul3A_57 : f32 to vector<16xf32>
      %mul3A_59 = arith.mulf %scan3A_55, %mul3A_58 : vector<16xf32>
      %swap3A_60 = arith.index_cast %scan3A_10 : i32 to index
      %swap3A_61 = arith.constant 32 : index
      %swap3A_62 = tpu.vector_load %arg7[%swap3A_60, %swap3A_61] {strides = array<i32>} : memref<32x128xf32, #tpu.memory_space<vmem>>, vector<1x16xf32>,
      %swap3A_63 = vector.shape_cast %swap3A_62 : vector<1x16xf32> to vector<16xf32>
      %swap3A_64 = vector.shape_cast %mul3A_59 : vector<16xf32> to vector<1x16xf32>
      tpu.vector_store %arg7[%swap3A_60, %swap3A_61], %swap3A_64 {strides = array<i32>} : memref<32x128xf32, #tpu.memory_space<vmem>>, vector<1x16xf32>,
      %broadcast_in_dim3A_65 = arith.constant 0.000000e+00 : f32
      %broadcast_in_dim3A_66 = vector.broadcast %broadcast_in_dim3A_65 : f32 to vector<16xf32>
      %scan3A_67 = arith.constant 0 : i32
      %scan3A_68 = arith.constant 32 : i32
      %scan3A_69 = arith.addi %scan3A_67, %scan3A_68 : i32
      %scan3A_70 = arith.constant 1 : i32
      %scan3A_71 = scf.for %scan3A_145 = %scan3A_67 to %scan3A_69 step %scan3A_70 iter_args(%scan3A_146 = %broadcast_in_dim3A_66) -> (vector<16xf32>)  : i32 {
        %get3A = arith.index_cast %scan3A_145 : i32 to index
        %get3A_147 = arith.constant 48 : index
        %get3A_148 = tpu.vector_load %arg6[%get3A, %get3A_147] {strides = array<i32>} : memref<32x128xf32, #tpu.memory_space<vmem>>, vector<1x16xf32>,
        %get3A_149 = vector.shape_cast %get3A_148 : vector<1x16xf32> to vector<16xf32>
        %add3A_150 = arith.addf %scan3A_146, %get3A_149 : vector<16xf32>
        scf.yield %add3A_150 : vector<16xf32>
      }
      %scan3A_72 = arith.constant 32 : i32
      %mul3A_73 = arith.constant 3.125000e-02 : f32
      %mul3A_74 = vector.broadcast %mul3A_73 : f32 to vector<16xf32>
      %mul3A_75 = arith.mulf %scan3A_71, %mul3A_74 : vector<16xf32>
      %swap3A_76 = arith.index_cast %scan3A_10 : i32 to index
      %swap3A_77 = arith.constant 48 : index
      %swap3A_78 = tpu.vector_load %arg7[%swap3A_76, %swap3A_77] {strides = array<i32>} : memref<32x128xf32, #tpu.memory_space<vmem>>, vector<1x16xf32>,
      %swap3A_79 = vector.shape_cast %swap3A_78 : vector<1x16xf32> to vector<16xf32>
      %swap3A_80 = vector.shape_cast %mul3A_75 : vector<16xf32> to vector<1x16xf32>
      tpu.vector_store %arg7[%swap3A_76, %swap3A_77], %swap3A_80 {strides = array<i32>} : memref<32x128xf32, #tpu.memory_space<vmem>>, vector<1x16xf32>,
      %broadcast_in_dim3A_81 = arith.constant 0.000000e+00 : f32
      %broadcast_in_dim3A_82 = vector.broadcast %broadcast_in_dim3A_81 : f32 to vector<16xf32>
      %scan3A_83 = arith.constant 0 : i32
      %scan3A_84 = arith.constant 32 : i32
      %scan3A_85 = arith.addi %scan3A_83, %scan3A_84 : i32
      %scan3A_86 = arith.constant 1 : i32
      %scan3A_87 = scf.for %scan3A_145 = %scan3A_83 to %scan3A_85 step %scan3A_86 iter_args(%scan3A_146 = %broadcast_in_dim3A_82) -> (vector<16xf32>)  : i32 {
        %get3A = arith.index_cast %scan3A_145 : i32 to index
        %get3A_147 = arith.constant 64 : index
        %get3A_148 = tpu.vector_load %arg6[%get3A, %get3A_147] {strides = array<i32>} : memref<32x128xf32, #tpu.memory_space<vmem>>, vector<1x16xf32>,
        %get3A_149 = vector.shape_cast %get3A_148 : vector<1x16xf32> to vector<16xf32>
        %add3A_150 = arith.addf %scan3A_146, %get3A_149 : vector<16xf32>
        scf.yield %add3A_150 : vector<16xf32>
      }
      %scan3A_88 = arith.constant 32 : i32
      %mul3A_89 = arith.constant 3.125000e-02 : f32
      %mul3A_90 = vector.broadcast %mul3A_89 : f32 to vector<16xf32>
      %mul3A_91 = arith.mulf %scan3A_87, %mul3A_90 : vector<16xf32>
      %swap3A_92 = arith.index_cast %scan3A_10 : i32 to index
      %swap3A_93 = arith.constant 64 : index
      %swap3A_94 = tpu.vector_load %arg7[%swap3A_92, %swap3A_93] {strides = array<i32>} : memref<32x128xf32, #tpu.memory_space<vmem>>, vector<1x16xf32>,
      %swap3A_95 = vector.shape_cast %swap3A_94 : vector<1x16xf32> to vector<16xf32>
      %swap3A_96 = vector.shape_cast %mul3A_91 : vector<16xf32> to vector<1x16xf32>
      tpu.vector_store %arg7[%swap3A_92, %swap3A_93], %swap3A_96 {strides = array<i32>} : memref<32x128xf32, #tpu.memory_space<vmem>>, vector<1x16xf32>,
      %broadcast_in_dim3A_97 = arith.constant 0.000000e+00 : f32
      %broadcast_in_dim3A_98 = vector.broadcast %broadcast_in_dim3A_97 : f32 to vector<16xf32>
      %scan3A_99 = arith.constant 0 : i32
      %scan3A_100 = arith.constant 32 : i32
      %scan3A_101 = arith.addi %scan3A_99, %scan3A_100 : i32
      %scan3A_102 = arith.constant 1 : i32
      %scan3A_103 = scf.for %scan3A_145 = %scan3A_99 to %scan3A_101 step %scan3A_102 iter_args(%scan3A_146 = %broadcast_in_dim3A_98) -> (vector<16xf32>)  : i32 {
        %get3A = arith.index_cast %scan3A_145 : i32 to index
        %get3A_147 = arith.constant 80 : index
        %get3A_148 = tpu.vector_load %arg6[%get3A, %get3A_147] {strides = array<i32>} : memref<32x128xf32, #tpu.memory_space<vmem>>, vector<1x16xf32>,
        %get3A_149 = vector.shape_cast %get3A_148 : vector<1x16xf32> to vector<16xf32>
        %add3A_150 = arith.addf %scan3A_146, %get3A_149 : vector<16xf32>
        scf.yield %add3A_150 : vector<16xf32>
      }
      %scan3A_104 = arith.constant 32 : i32
      %mul3A_105 = arith.constant 3.125000e-02 : f32
      %mul3A_106 = vector.broadcast %mul3A_105 : f32 to vector<16xf32>
      %mul3A_107 = arith.mulf %scan3A_103, %mul3A_106 : vector<16xf32>
      %swap3A_108 = arith.index_cast %scan3A_10 : i32 to index
      %swap3A_109 = arith.constant 80 : index
      %swap3A_110 = tpu.vector_load %arg7[%swap3A_108, %swap3A_109] {strides = array<i32>} : memref<32x128xf32, #tpu.memory_space<vmem>>, vector<1x16xf32>,
      %swap3A_111 = vector.shape_cast %swap3A_110 : vector<1x16xf32> to vector<16xf32>
      %swap3A_112 = vector.shape_cast %mul3A_107 : vector<16xf32> to vector<1x16xf32>
      tpu.vector_store %arg7[%swap3A_108, %swap3A_109], %swap3A_112 {strides = array<i32>} : memref<32x128xf32, #tpu.memory_space<vmem>>, vector<1x16xf32>,
      %broadcast_in_dim3A_113 = arith.constant 0.000000e+00 : f32
      %broadcast_in_dim3A_114 = vector.broadcast %broadcast_in_dim3A_113 : f32 to vector<16xf32>
      %scan3A_115 = arith.constant 0 : i32
      %scan3A_116 = arith.constant 32 : i32
      %scan3A_117 = arith.addi %scan3A_115, %scan3A_116 : i32
      %scan3A_118 = arith.constant 1 : i32
      %scan3A_119 = scf.for %scan3A_145 = %scan3A_115 to %scan3A_117 step %scan3A_118 iter_args(%scan3A_146 = %broadcast_in_dim3A_114) -> (vector<16xf32>)  : i32 {
        %get3A = arith.index_cast %scan3A_145 : i32 to index
        %get3A_147 = arith.constant 96 : index
        %get3A_148 = tpu.vector_load %arg6[%get3A, %get3A_147] {strides = array<i32>} : memref<32x128xf32, #tpu.memory_space<vmem>>, vector<1x16xf32>,
        %get3A_149 = vector.shape_cast %get3A_148 : vector<1x16xf32> to vector<16xf32>
        %add3A_150 = arith.addf %scan3A_146, %get3A_149 : vector<16xf32>
        scf.yield %add3A_150 : vector<16xf32>
      }
      %scan3A_120 = arith.constant 32 : i32
      %mul3A_121 = arith.constant 3.125000e-02 : f32
      %mul3A_122 = vector.broadcast %mul3A_121 : f32 to vector<16xf32>
      %mul3A_123 = arith.mulf %scan3A_119, %mul3A_122 : vector<16xf32>
      %swap3A_124 = arith.index_cast %scan3A_10 : i32 to index
      %swap3A_125 = arith.constant 96 : index
      %swap3A_126 = tpu.vector_load %arg7[%swap3A_124, %swap3A_125] {strides = array<i32>} : memref<32x128xf32, #tpu.memory_space<vmem>>, vector<1x16xf32>,
      %swap3A_127 = vector.shape_cast %swap3A_126 : vector<1x16xf32> to vector<16xf32>
      %swap3A_128 = vector.shape_cast %mul3A_123 : vector<16xf32> to vector<1x16xf32>
      tpu.vector_store %arg7[%swap3A_124, %swap3A_125], %swap3A_128 {strides = array<i32>} : memref<32x128xf32, #tpu.memory_space<vmem>>, vector<1x16xf32>,
      %broadcast_in_dim3A_129 = arith.constant 0.000000e+00 : f32
      %broadcast_in_dim3A_130 = vector.broadcast %broadcast_in_dim3A_129 : f32 to vector<16xf32>
      %scan3A_131 = arith.constant 0 : i32
      %scan3A_132 = arith.constant 32 : i32
      %scan3A_133 = arith.addi %scan3A_131, %scan3A_132 : i32
      %scan3A_134 = arith.constant 1 : i32
      %scan3A_135 = scf.for %scan3A_145 = %scan3A_131 to %scan3A_133 step %scan3A_134 iter_args(%scan3A_146 = %broadcast_in_dim3A_130) -> (vector<16xf32>)  : i32 {
        %get3A = arith.index_cast %scan3A_145 : i32 to index
        %get3A_147 = arith.constant 112 : index
        %get3A_148 = tpu.vector_load %arg6[%get3A, %get3A_147] {strides = array<i32>} : memref<32x128xf32, #tpu.memory_space<vmem>>, vector<1x16xf32>,
        %get3A_149 = vector.shape_cast %get3A_148 : vector<1x16xf32> to vector<16xf32>
        %add3A_150 = arith.addf %scan3A_146, %get3A_149 : vector<16xf32>
        scf.yield %add3A_150 : vector<16xf32>
      }
      %scan3A_136 = arith.constant 32 : i32
      %mul3A_137 = arith.constant 3.125000e-02 : f32
      %mul3A_138 = vector.broadcast %mul3A_137 : f32 to vector<16xf32>
      %mul3A_139 = arith.mulf %scan3A_135, %mul3A_138 : vector<16xf32>
      %swap3A_140 = arith.index_cast %scan3A_10 : i32 to index
      %swap3A_141 = arith.constant 112 : index
      %swap3A_142 = tpu.vector_load %arg7[%swap3A_140, %swap3A_141] {strides = array<i32>} : memref<32x128xf32, #tpu.memory_space<vmem>>, vector<1x16xf32>,
      %swap3A_143 = vector.shape_cast %swap3A_142 : vector<1x16xf32> to vector<16xf32>
      %swap3A_144 = vector.shape_cast %mul3A_139 : vector<16xf32> to vector<1x16xf32>
      tpu.vector_store %arg7[%swap3A_140, %swap3A_141], %swap3A_144 {strides = array<i32>} : memref<32x128xf32, #tpu.memory_space<vmem>>, vector<1x16xf32>,
    }
    %scan3A_9 = arith.constant 32 : i32
    "tpu.region"() ({
      %run_scoped3A = tpu.sem_alloc : memref<!tpu.dma_semaphore, #tpu.memory_space<semaphore_mem>>
      %dma_start3A = arith.constant 0 : i32
      %dma_start3A_10 = tpu.memref_slice %arg4[%mul3A_2, %dma_start3A] : memref<1024x128xf32, #tpu.memory_space<hbm>> -> memref<32x128xf32, #tpu.memory_space<hbm>>
      %dma_start3A_11 = arith.constant 0 : i32
      %dma_start3A_12 = tpu.memref_slice %arg4[%mul3A_2, %dma_start3A_11] : memref<1024x128xf32, #tpu.memory_space<hbm>> -> memref<32x128xf32, #tpu.memory_space<hbm>>
      tpu.enqueue_dma source(%arg7 : memref<32x128xf32, #tpu.memory_space<vmem>>) target(%dma_start3A_12 : memref<32x128xf32, #tpu.memory_space<hbm>>) target_semaphore(%run_scoped3A : memref<!tpu.dma_semaphore, #tpu.memory_space<semaphore_mem>>)
      %dma_wait3A = arith.constant 0 : i32
      %dma_wait3A_13 = tpu.memref_slice %arg4[%mul3A_2, %dma_wait3A] : memref<1024x128xf32, #tpu.memory_space<hbm>> -> memref<32x128xf32, #tpu.memory_space<hbm>>
      %dma_wait3A_14 = arith.constant 0 : i32
      %dma_wait3A_15 = tpu.memref_slice %arg4[%mul3A_2, %dma_wait3A_14] : memref<1024x128xf32, #tpu.memory_space<hbm>> -> memref<32x128xf32, #tpu.memory_space<hbm>>
      tpu.wait_dma2 semaphore(%run_scoped3A : memref<!tpu.dma_semaphore, #tpu.memory_space<semaphore_mem>>) src(%arg7 : memref<32x128xf32, #tpu.memory_space<vmem>>) dst(%dma_wait3A_15 : memref<32x128xf32, #tpu.memory_space<hbm>>)
      tpu.yield
    }) : () -> ()
    return
  }
}

module attributes {stable_mosaic.version = 14 : i64} {
  func.func @_topk_kernel(%arg0: i32, %arg1: memref<128x1024xf32, #tpu.memory_space<vmem>>, %arg2: memref<2048x128xf32, #tpu.memory_space<vmem>>, %arg3: memref<32x1024xi32, #tpu.memory_space<vmem>>, %arg4: memref<32x1024xf32, #tpu.memory_space<vmem>>, %arg5: memref<32x1024xi32, #tpu.memory_space<vmem>>, %arg6: memref<2048x1024xf32, #tpu.memory_space<vmem>>) attributes {dimension_semantics = [#tpu.dimension_semantics<arbitrary>], iteration_bounds = array<i64: 49>, scalar_prefetch = 0 : i64, scratch_operands = 3 : i64, tpu.core_type = #tpu.core_type<tc>, window_params = [{pipeline_mode = #tpu.pipeline_mode<synchronous>, transform_indices = @transform_0, window_bounds = array<i64: 128, 1024>}, {transform_indices = @transform_1, window_bounds = array<i64: 2048, 128>}, {pipeline_mode = #tpu.pipeline_mode<synchronous>, transform_indices = @transform_2, window_bounds = array<i64: 32, 1024>}]} {
    %eq3A = arith.constant 0 : i32
    %eq3A_0 = arith.cmpi eq, %arg0, %eq3A : i32
    %convert_element_type3A = arith.extui %eq3A_0 : i1 to i32
    %cond3A = arith.constant 0 : i32
    %cond3A_1 = arith.cmpi ne, %convert_element_type3A, %cond3A : i32
    scf.if %cond3A_1 {
      %broadcast_in_dim3A_296 = arith.constant 3.000000e+38 : f32
      %broadcast_in_dim3A_297 = vector.broadcast %broadcast_in_dim3A_296 : f32 to vector<32x1024xf32>
      %swap3A_298 = arith.constant 0 : index
      %swap3A_299 = arith.constant 0 : index
      %swap3A_300 = vector.load %arg4[%swap3A_298, %swap3A_299] : memref<32x1024xf32, #tpu.memory_space<vmem>>, vector<32x1024xf32>
      tpu.vector_store %arg4[%swap3A_298, %swap3A_299], %broadcast_in_dim3A_297 {strides = array<i32>} : memref<32x1024xf32, #tpu.memory_space<vmem>>, vector<32x1024xf32>,
      %broadcast_in_dim3A_301 = arith.constant 2147483647 : i32
      %broadcast_in_dim3A_302 = vector.broadcast %broadcast_in_dim3A_301 : i32 to vector<32x1024xi32>
      %swap3A_303 = arith.constant 0 : index
      %swap3A_304 = arith.constant 0 : index
      %swap3A_305 = vector.load %arg5[%swap3A_303, %swap3A_304] : memref<32x1024xi32, #tpu.memory_space<vmem>>, vector<32x1024xi32>
      tpu.vector_store %arg5[%swap3A_303, %swap3A_304], %broadcast_in_dim3A_302 {strides = array<i32>} : memref<32x1024xi32, #tpu.memory_space<vmem>>, vector<32x1024xi32>,
    } else {
    }
    %get3A = arith.constant 0 : index
    %get3A_2 = arith.constant 0 : index
    %get3A_3 = vector.load %arg2[%get3A, %get3A_2] : memref<2048x128xf32, #tpu.memory_space<vmem>>, vector<2048x128xf32>
    %get3A_4 = arith.constant 0 : index
    %get3A_5 = arith.constant 0 : index
    %get3A_6 = vector.load %arg1[%get3A_4, %get3A_5] : memref<128x1024xf32, #tpu.memory_space<vmem>>, vector<128x1024xf32>
    %mul3A = arith.mulf %get3A_3, %get3A_3 : vector<2048x128xf32>
    %reduce_sum3A = arith.constant dense<0.000000e+00> : vector<2048xf32>
    %reduce_sum3A_7 = vector.multi_reduction <add>, %mul3A, %reduce_sum3A [1] : vector<2048x128xf32> to vector<2048xf32>
    %broadcast_in_dim3A = vector.shape_cast %reduce_sum3A_7 : vector<2048xf32> to vector<2048x1xf32>
    %dot_general3A = arith.constant dense<0.000000e+00> : vector<2048x1024xf32>
    %dot_general3A_8 = tpu.matmul %get3A_3, %get3A_6, %dot_general3A {dimension_numbers = #tpu.dot_dimension_numbers<[1], [0], [0], [1], [0, 0, 1, 1], [], []>, transpose_lhs_hint = false} : vector<2048x128xf32>, vector<128x1024xf32>, vector<2048x1024xf32> -> vector<2048x1024xf32>
    %mul3A_9 = arith.constant 2.000000e+00 : f32
    %mul3A_10 = vector.broadcast %mul3A_9 : f32 to vector<2048x1024xf32>
    %mul3A_11 = arith.mulf %mul3A_10, %dot_general3A_8 : vector<2048x1024xf32>
    %sub3A = vector.broadcast %broadcast_in_dim3A : vector<2048x1xf32> to vector<2048x1024xf32>
    %sub3A_12 = arith.subf %sub3A, %mul3A_11 : vector<2048x1024xf32>
    %iota3A = tpu.iota {dimensions = array<i32: 0>} : vector<2048x1024xi32>
    %mul3A_13 = arith.constant 2048 : i32
    %mul3A_14 = arith.muli %arg0, %mul3A_13 : i32
    %add3A = vector.broadcast %mul3A_14 : i32 to vector<2048x1024xi32>
    %add3A_15 = arith.addi %iota3A, %add3A : vector<2048x1024xi32>
    %ge3A = arith.constant 100000 : i32
    %ge3A_16 = vector.broadcast %ge3A : i32 to vector<2048x1024xi32>
    %ge3A_17 = arith.cmpi sge, %add3A_15, %ge3A_16 : vector<2048x1024xi32>
    %jit3A = arith.constant 3.000000e+38 : f32
    %broadcast_in_dim3A_18 = vector.broadcast %jit3A : f32 to vector<2048x1024xf32>
    %select_n3A = arith.select %ge3A_17, %broadcast_in_dim3A_18, %sub3A_12 : vector<2048x1024xi1>, vector<2048x1024xf32>
    %swap3A = arith.constant 0 : index
    %swap3A_19 = arith.constant 0 : index
    %swap3A_20 = vector.load %arg6[%swap3A, %swap3A_19] : memref<2048x1024xf32, #tpu.memory_space<vmem>>, vector<2048x1024xf32>
    tpu.vector_store %arg6[%swap3A, %swap3A_19], %select_n3A {strides = array<i32>} : memref<2048x1024xf32, #tpu.memory_space<vmem>>, vector<2048x1024xf32>,
    %iota3A_21 = tpu.iota {dimensions = array<i32: 0>} : vector<32x1024xi32>
    %iota3A_22 = tpu.iota {dimensions = array<i32: 0>} : vector<256x1024xi32>
    %mul3A_23 = arith.constant 2048 : i32
    %mul3A_24 = arith.muli %arg0, %mul3A_23 : i32
    %add3A_25 = arith.constant 0 : i32
    %add3A_26 = arith.addi %add3A_25, %mul3A_24 : i32
    %get3A_27 = arith.constant 31 : index
    %get3A_28 = arith.constant 0 : index
    %get3A_29 = vector.load %arg4[%get3A_27, %get3A_28] : memref<32x1024xf32, #tpu.memory_space<vmem>>, vector<1x1024xf32>
    %get3A_30 = arith.constant 0 : index
    %get3A_31 = arith.constant 0 : index
    %get3A_32 = vector.load %arg6[%get3A_30, %get3A_31] : memref<2048x1024xf32, #tpu.memory_space<vmem>>, vector<256x1024xf32>
    %le3A = vector.broadcast %get3A_29 : vector<1x1024xf32> to vector<256x1024xf32>
    %le3A_33 = arith.cmpf ole, %get3A_32, %le3A : vector<256x1024xf32>
    %convert_element_type3A_34 = arith.extui %le3A_33 : vector<256x1024xi1> to vector<256x1024xi32>
    %reduce_sum3A_35 = arith.constant dense<0> : vector<1024xi32>
    %reduce_sum3A_36 = vector.multi_reduction <add>, %convert_element_type3A_34, %reduce_sum3A_35 [0] : vector<256x1024xi32> to vector<1024xi32>
    %broadcast_in_dim3A_37 = vector.shape_cast %reduce_sum3A_36 : vector<1024xi32> to vector<1x1024xi32>
    %min3A = arith.constant 32 : i32
    %min3A_38 = vector.broadcast %min3A : i32 to vector<1x1024xi32>
    %min3A_39 = arith.minsi %broadcast_in_dim3A_37, %min3A_38 : vector<1x1024xi32>
    %reduce_max3A = vector.shape_cast %min3A_39 : vector<1x1024xi32> to vector<1x1x1024xi32>
    %reduce_max3A_40 = arith.constant dense<-2147483648> : vector<1xi32>
    %reduce_max3A_41 = vector.multi_reduction <maxsi>, %reduce_max3A, %reduce_max3A_40 [1, 2] : vector<1x1x1024xi32> to vector<1xi32>
    %reduce_max3A_42 = vector.shape_cast %reduce_max3A_41 : vector<1xi32> to vector<1x1x1xi32>
    %reduce_max3A_43 = vector.extract %reduce_max3A_42[0, 0, 0] : i32 from vector<1x1x1xi32>
    %while3A = arith.constant 0 : i32
    %while3A_44 = arith.constant 0 : i32
    %while3A_45 = arith.subi %reduce_max3A_43, %while3A_44 : i32
    %while3A_46 = arith.addi %while3A_44, %while3A_45 : i32
    %while3A_47 = arith.constant 1 : i32
    %while3A_48 = arith.divsi %while3A_45, %while3A_47 : i32
    %while3A_49 = arith.muli %while3A_48, %while3A_47 : i32
    %while3A_50 = arith.addi %while3A_44, %while3A_49 : i32
    %while3A_51 = arith.constant 1 : i32
    scf.for %while3A_296 = %while3A_44 to %while3A_50 step %while3A_51  : i32 {
      %get3A_297 = arith.constant 0 : index
      %get3A_298 = arith.constant 0 : index
      %get3A_299 = vector.load %arg6[%get3A_297, %get3A_298] : memref<2048x1024xf32, #tpu.memory_space<vmem>>, vector<256x1024xf32>
      %reduce_min3A = arith.constant dense<0x7F800000> : vector<1024xf32>
      %reduce_min3A_300 = vector.multi_reduction <minimumf>, %get3A_299, %reduce_min3A [0] : vector<256x1024xf32> to vector<1024xf32>
      %broadcast_in_dim3A_301 = vector.shape_cast %reduce_min3A_300 : vector<1024xf32> to vector<1x1024xf32>
      %eq3A_302 = vector.broadcast %broadcast_in_dim3A_301 : vector<1x1024xf32> to vector<256x1024xf32>
      %eq3A_303 = arith.cmpf oeq, %get3A_299, %eq3A_302 : vector<256x1024xf32>
      %jit3A_304 = arith.constant 2147483647 : i32
      %broadcast_in_dim3A_305 = vector.broadcast %jit3A_304 : i32 to vector<256x1024xi32>
      %select_n3A_306 = arith.select %eq3A_303, %iota3A_22, %broadcast_in_dim3A_305 : vector<256x1024xi1>, vector<256x1024xi32>
      %reduce_min3A_307 = arith.constant dense<2147483647> : vector<1024xi32>
      %reduce_min3A_308 = vector.multi_reduction <minsi>, %select_n3A_306, %reduce_min3A_307 [0] : vector<256x1024xi32> to vector<1024xi32>
      %broadcast_in_dim3A_309 = vector.shape_cast %reduce_min3A_308 : vector<1024xi32> to vector<1x1024xi32>
      %eq3A_310 = vector.broadcast %broadcast_in_dim3A_309 : vector<1x1024xi32> to vector<256x1024xi32>
      %eq3A_311 = arith.cmpi eq, %iota3A_22, %eq3A_310 : vector<256x1024xi32>
      %jit3A_312 = arith.constant 3.000000e+38 : f32
      %broadcast_in_dim3A_313 = vector.broadcast %jit3A_312 : f32 to vector<256x1024xf32>
      %select_n3A_314 = arith.select %eq3A_311, %broadcast_in_dim3A_313, %get3A_299 : vector<256x1024xi1>, vector<256x1024xf32>
      %swap3A_315 = arith.constant 0 : index
      %swap3A_316 = arith.constant 0 : index
      %swap3A_317 = vector.load %arg6[%swap3A_315, %swap3A_316] : memref<2048x1024xf32, #tpu.memory_space<vmem>>, vector<256x1024xf32>
      tpu.vector_store %arg6[%swap3A_315, %swap3A_316], %select_n3A_314 {strides = array<i32>} : memref<2048x1024xf32, #tpu.memory_space<vmem>>, vector<256x1024xf32>,
      %add3A_318 = vector.broadcast %add3A_26 : i32 to vector<1x1024xi32>
      %add3A_319 = arith.addi %broadcast_in_dim3A_309, %add3A_318 : vector<1x1024xi32>
      %get3A_320 = arith.constant 0 : index
      %get3A_321 = arith.constant 0 : index
      %get3A_322 = vector.load %arg4[%get3A_320, %get3A_321] : memref<32x1024xf32, #tpu.memory_space<vmem>>, vector<32x1024xf32>
      %get3A_323 = arith.constant 0 : index
      %get3A_324 = arith.constant 0 : index
      %get3A_325 = vector.load %arg5[%get3A_323, %get3A_324] : memref<32x1024xi32, #tpu.memory_space<vmem>>, vector<32x1024xi32>
      %lt3A = vector.broadcast %broadcast_in_dim3A_301 : vector<1x1024xf32> to vector<32x1024xf32>
      %lt3A_326 = arith.cmpf olt, %get3A_322, %lt3A : vector<32x1024xf32>
      %eq3A_327 = vector.broadcast %broadcast_in_dim3A_301 : vector<1x1024xf32> to vector<32x1024xf32>
      %eq3A_328 = arith.cmpf oeq, %get3A_322, %eq3A_327 : vector<32x1024xf32>
      %lt3A_329 = vector.broadcast %add3A_319 : vector<1x1024xi32> to vector<32x1024xi32>
      %lt3A_330 = arith.cmpi slt, %get3A_325, %lt3A_329 : vector<32x1024xi32>
      %and3A = arith.andi %eq3A_328, %lt3A_330 : vector<32x1024xi1>
      %or3A = arith.ori %lt3A_326, %and3A : vector<32x1024xi1>
      %convert_element_type3A_331 = arith.extui %or3A : vector<32x1024xi1> to vector<32x1024xi32>
      %reduce_sum3A_332 = arith.constant dense<0> : vector<1024xi32>
      %reduce_sum3A_333 = vector.multi_reduction <add>, %convert_element_type3A_331, %reduce_sum3A_332 [0] : vector<32x1024xi32> to vector<1024xi32>
      %broadcast_in_dim3A_334 = vector.shape_cast %reduce_sum3A_333 : vector<1024xi32> to vector<1x1024xi32>
      %roll3A = arith.constant 1 : i32
      %roll3A_335 = tpu.dynamic_rotate %get3A_322 by %roll3A dim 0 : vector<32x1024xf32>, i32 -> vector<32x1024xf32>
      %roll3A_336 = arith.constant 1 : i32
      %roll3A_337 = tpu.dynamic_rotate %get3A_325 by %roll3A_336 dim 0 : vector<32x1024xi32>, i32 -> vector<32x1024xi32>
      %lt3A_338 = vector.broadcast %broadcast_in_dim3A_334 : vector<1x1024xi32> to vector<32x1024xi32>
      %lt3A_339 = arith.cmpi slt, %iota3A_21, %lt3A_338 : vector<32x1024xi32>
      %eq3A_340 = vector.broadcast %broadcast_in_dim3A_334 : vector<1x1024xi32> to vector<32x1024xi32>
      %eq3A_341 = arith.cmpi eq, %iota3A_21, %eq3A_340 : vector<32x1024xi32>
      %broadcast_in_dim3A_342 = vector.shape_cast %broadcast_in_dim3A_301 : vector<1x1024xf32> to vector<1x1024xf32>
      %broadcast_in_dim3A_343 = vector.broadcast %broadcast_in_dim3A_342 : vector<1x1024xf32> to vector<32x1024xf32>
      %select_n3A_344 = arith.select %eq3A_341, %broadcast_in_dim3A_343, %roll3A_335 : vector<32x1024xi1>, vector<32x1024xf32>
      %select_n3A_345 = arith.select %lt3A_339, %get3A_322, %select_n3A_344 : vector<32x1024xi1>, vector<32x1024xf32>
      %swap3A_346 = arith.constant 0 : index
      %swap3A_347 = arith.constant 0 : index
      %swap3A_348 = vector.load %arg4[%swap3A_346, %swap3A_347] : memref<32x1024xf32, #tpu.memory_space<vmem>>, vector<32x1024xf32>
      tpu.vector_store %arg4[%swap3A_346, %swap3A_347], %select_n3A_345 {strides = array<i32>} : memref<32x1024xf32, #tpu.memory_space<vmem>>, vector<32x1024xf32>,
      %lt3A_349 = vector.broadcast %broadcast_in_dim3A_334 : vector<1x1024xi32> to vector<32x1024xi32>
      %lt3A_350 = arith.cmpi slt, %iota3A_21, %lt3A_349 : vector<32x1024xi32>
      %eq3A_351 = vector.broadcast %broadcast_in_dim3A_334 : vector<1x1024xi32> to vector<32x1024xi32>
      %eq3A_352 = arith.cmpi eq, %iota3A_21, %eq3A_351 : vector<32x1024xi32>
      %broadcast_in_dim3A_353 = vector.shape_cast %add3A_319 : vector<1x1024xi32> to vector<1x1024xi32>
      %broadcast_in_dim3A_354 = vector.broadcast %broadcast_in_dim3A_353 : vector<1x1024xi32> to vector<32x1024xi32>
      %select_n3A_355 = arith.select %eq3A_352, %broadcast_in_dim3A_354, %roll3A_337 : vector<32x1024xi1>, vector<32x1024xi32>
      %select_n3A_356 = arith.select %lt3A_350, %get3A_325, %select_n3A_355 : vector<32x1024xi1>, vector<32x1024xi32>
      %swap3A_357 = arith.constant 0 : index
      %swap3A_358 = arith.constant 0 : index
      %swap3A_359 = vector.load %arg5[%swap3A_357, %swap3A_358] : memref<32x1024xi32, #tpu.memory_space<vmem>>, vector<32x1024xi32>
      tpu.vector_store %arg5[%swap3A_357, %swap3A_358], %select_n3A_356 {strides = array<i32>} : memref<32x1024xi32, #tpu.memory_space<vmem>>, vector<32x1024xi32>,
    }
    %while3A_52 = arith.constant 1 : i32
    scf.for %while3A_296 = %while3A_50 to %while3A_46 step %while3A_52  : i32 {
      %get3A_297 = arith.constant 0 : index
      %get3A_298 = arith.constant 0 : index
      %get3A_299 = vector.load %arg6[%get3A_297, %get3A_298] : memref<2048x1024xf32, #tpu.memory_space<vmem>>, vector<256x1024xf32>
      %reduce_min3A = arith.constant dense<0x7F800000> : vector<1024xf32>
      %reduce_min3A_300 = vector.multi_reduction <minimumf>, %get3A_299, %reduce_min3A [0] : vector<256x1024xf32> to vector<1024xf32>
      %broadcast_in_dim3A_301 = vector.shape_cast %reduce_min3A_300 : vector<1024xf32> to vector<1x1024xf32>
      %eq3A_302 = vector.broadcast %broadcast_in_dim3A_301 : vector<1x1024xf32> to vector<256x1024xf32>
      %eq3A_303 = arith.cmpf oeq, %get3A_299, %eq3A_302 : vector<256x1024xf32>
      %jit3A_304 = arith.constant 2147483647 : i32
      %broadcast_in_dim3A_305 = vector.broadcast %jit3A_304 : i32 to vector<256x1024xi32>
      %select_n3A_306 = arith.select %eq3A_303, %iota3A_22, %broadcast_in_dim3A_305 : vector<256x1024xi1>, vector<256x1024xi32>
      %reduce_min3A_307 = arith.constant dense<2147483647> : vector<1024xi32>
      %reduce_min3A_308 = vector.multi_reduction <minsi>, %select_n3A_306, %reduce_min3A_307 [0] : vector<256x1024xi32> to vector<1024xi32>
      %broadcast_in_dim3A_309 = vector.shape_cast %reduce_min3A_308 : vector<1024xi32> to vector<1x1024xi32>
      %eq3A_310 = vector.broadcast %broadcast_in_dim3A_309 : vector<1x1024xi32> to vector<256x1024xi32>
      %eq3A_311 = arith.cmpi eq, %iota3A_22, %eq3A_310 : vector<256x1024xi32>
      %jit3A_312 = arith.constant 3.000000e+38 : f32
      %broadcast_in_dim3A_313 = vector.broadcast %jit3A_312 : f32 to vector<256x1024xf32>
      %select_n3A_314 = arith.select %eq3A_311, %broadcast_in_dim3A_313, %get3A_299 : vector<256x1024xi1>, vector<256x1024xf32>
      %swap3A_315 = arith.constant 0 : index
      %swap3A_316 = arith.constant 0 : index
      %swap3A_317 = vector.load %arg6[%swap3A_315, %swap3A_316] : memref<2048x1024xf32, #tpu.memory_space<vmem>>, vector<256x1024xf32>
      tpu.vector_store %arg6[%swap3A_315, %swap3A_316], %select_n3A_314 {strides = array<i32>} : memref<2048x1024xf32, #tpu.memory_space<vmem>>, vector<256x1024xf32>,
      %add3A_318 = vector.broadcast %add3A_26 : i32 to vector<1x1024xi32>
      %add3A_319 = arith.addi %broadcast_in_dim3A_309, %add3A_318 : vector<1x1024xi32>
      %get3A_320 = arith.constant 0 : index
      %get3A_321 = arith.constant 0 : index
      %get3A_322 = vector.load %arg4[%get3A_320, %get3A_321] : memref<32x1024xf32, #tpu.memory_space<vmem>>, vector<32x1024xf32>
      %get3A_323 = arith.constant 0 : index
      %get3A_324 = arith.constant 0 : index
      %get3A_325 = vector.load %arg5[%get3A_323, %get3A_324] : memref<32x1024xi32, #tpu.memory_space<vmem>>, vector<32x1024xi32>
      %lt3A = vector.broadcast %broadcast_in_dim3A_301 : vector<1x1024xf32> to vector<32x1024xf32>
      %lt3A_326 = arith.cmpf olt, %get3A_322, %lt3A : vector<32x1024xf32>
      %eq3A_327 = vector.broadcast %broadcast_in_dim3A_301 : vector<1x1024xf32> to vector<32x1024xf32>
      %eq3A_328 = arith.cmpf oeq, %get3A_322, %eq3A_327 : vector<32x1024xf32>
      %lt3A_329 = vector.broadcast %add3A_319 : vector<1x1024xi32> to vector<32x1024xi32>
      %lt3A_330 = arith.cmpi slt, %get3A_325, %lt3A_329 : vector<32x1024xi32>
      %and3A = arith.andi %eq3A_328, %lt3A_330 : vector<32x1024xi1>
      %or3A = arith.ori %lt3A_326, %and3A : vector<32x1024xi1>
      %convert_element_type3A_331 = arith.extui %or3A : vector<32x1024xi1> to vector<32x1024xi32>
      %reduce_sum3A_332 = arith.constant dense<0> : vector<1024xi32>
      %reduce_sum3A_333 = vector.multi_reduction <add>, %convert_element_type3A_331, %reduce_sum3A_332 [0] : vector<32x1024xi32> to vector<1024xi32>
      %broadcast_in_dim3A_334 = vector.shape_cast %reduce_sum3A_333 : vector<1024xi32> to vector<1x1024xi32>
      %roll3A = arith.constant 1 : i32
      %roll3A_335 = tpu.dynamic_rotate %get3A_322 by %roll3A dim 0 : vector<32x1024xf32>, i32 -> vector<32x1024xf32>
      %roll3A_336 = arith.constant 1 : i32
      %roll3A_337 = tpu.dynamic_rotate %get3A_325 by %roll3A_336 dim 0 : vector<32x1024xi32>, i32 -> vector<32x1024xi32>
      %lt3A_338 = vector.broadcast %broadcast_in_dim3A_334 : vector<1x1024xi32> to vector<32x1024xi32>
      %lt3A_339 = arith.cmpi slt, %iota3A_21, %lt3A_338 : vector<32x1024xi32>
      %eq3A_340 = vector.broadcast %broadcast_in_dim3A_334 : vector<1x1024xi32> to vector<32x1024xi32>
      %eq3A_341 = arith.cmpi eq, %iota3A_21, %eq3A_340 : vector<32x1024xi32>
      %broadcast_in_dim3A_342 = vector.shape_cast %broadcast_in_dim3A_301 : vector<1x1024xf32> to vector<1x1024xf32>
      %broadcast_in_dim3A_343 = vector.broadcast %broadcast_in_dim3A_342 : vector<1x1024xf32> to vector<32x1024xf32>
      %select_n3A_344 = arith.select %eq3A_341, %broadcast_in_dim3A_343, %roll3A_335 : vector<32x1024xi1>, vector<32x1024xf32>
      %select_n3A_345 = arith.select %lt3A_339, %get3A_322, %select_n3A_344 : vector<32x1024xi1>, vector<32x1024xf32>
      %swap3A_346 = arith.constant 0 : index
      %swap3A_347 = arith.constant 0 : index
      %swap3A_348 = vector.load %arg4[%swap3A_346, %swap3A_347] : memref<32x1024xf32, #tpu.memory_space<vmem>>, vector<32x1024xf32>
      tpu.vector_store %arg4[%swap3A_346, %swap3A_347], %select_n3A_345 {strides = array<i32>} : memref<32x1024xf32, #tpu.memory_space<vmem>>, vector<32x1024xf32>,
      %lt3A_349 = vector.broadcast %broadcast_in_dim3A_334 : vector<1x1024xi32> to vector<32x1024xi32>
      %lt3A_350 = arith.cmpi slt, %iota3A_21, %lt3A_349 : vector<32x1024xi32>
      %eq3A_351 = vector.broadcast %broadcast_in_dim3A_334 : vector<1x1024xi32> to vector<32x1024xi32>
      %eq3A_352 = arith.cmpi eq, %iota3A_21, %eq3A_351 : vector<32x1024xi32>
      %broadcast_in_dim3A_353 = vector.shape_cast %add3A_319 : vector<1x1024xi32> to vector<1x1024xi32>
      %broadcast_in_dim3A_354 = vector.broadcast %broadcast_in_dim3A_353 : vector<1x1024xi32> to vector<32x1024xi32>
      %select_n3A_355 = arith.select %eq3A_352, %broadcast_in_dim3A_354, %roll3A_337 : vector<32x1024xi1>, vector<32x1024xi32>
      %select_n3A_356 = arith.select %lt3A_350, %get3A_325, %select_n3A_355 : vector<32x1024xi1>, vector<32x1024xi32>
      %swap3A_357 = arith.constant 0 : index
      %swap3A_358 = arith.constant 0 : index
      %swap3A_359 = vector.load %arg5[%swap3A_357, %swap3A_358] : memref<32x1024xi32, #tpu.memory_space<vmem>>, vector<32x1024xi32>
      tpu.vector_store %arg5[%swap3A_357, %swap3A_358], %select_n3A_356 {strides = array<i32>} : memref<32x1024xi32, #tpu.memory_space<vmem>>, vector<32x1024xi32>,
    }
    %mul3A_53 = arith.constant 2048 : i32
    %mul3A_54 = arith.muli %arg0, %mul3A_53 : i32
    %add3A_55 = arith.constant 256 : i32
    %add3A_56 = arith.addi %add3A_55, %mul3A_54 : i32
    %get3A_57 = arith.constant 31 : index
    %get3A_58 = arith.constant 0 : index
    %get3A_59 = vector.load %arg4[%get3A_57, %get3A_58] : memref<32x1024xf32, #tpu.memory_space<vmem>>, vector<1x1024xf32>
    %get3A_60 = arith.constant 256 : index
    %get3A_61 = arith.constant 0 : index
    %get3A_62 = vector.load %arg6[%get3A_60, %get3A_61] : memref<2048x1024xf32, #tpu.memory_space<vmem>>, vector<256x1024xf32>
    %le3A_63 = vector.broadcast %get3A_59 : vector<1x1024xf32> to vector<256x1024xf32>
    %le3A_64 = arith.cmpf ole, %get3A_62, %le3A_63 : vector<256x1024xf32>
    %convert_element_type3A_65 = arith.extui %le3A_64 : vector<256x1024xi1> to vector<256x1024xi32>
    %reduce_sum3A_66 = arith.constant dense<0> : vector<1024xi32>
    %reduce_sum3A_67 = vector.multi_reduction <add>, %convert_element_type3A_65, %reduce_sum3A_66 [0] : vector<256x1024xi32> to vector<1024xi32>
    %broadcast_in_dim3A_68 = vector.shape_cast %reduce_sum3A_67 : vector<1024xi32> to vector<1x1024xi32>
    %min3A_69 = arith.constant 32 : i32
    %min3A_70 = vector.broadcast %min3A_69 : i32 to vector<1x1024xi32>
    %min3A_71 = arith.minsi %broadcast_in_dim3A_68, %min3A_70 : vector<1x1024xi32>
    %reduce_max3A_72 = vector.shape_cast %min3A_71 : vector<1x1024xi32> to vector<1x1x1024xi32>
    %reduce_max3A_73 = arith.constant dense<-2147483648> : vector<1xi32>
    %reduce_max3A_74 = vector.multi_reduction <maxsi>, %reduce_max3A_72, %reduce_max3A_73 [1, 2] : vector<1x1x1024xi32> to vector<1xi32>
    %reduce_max3A_75 = vector.shape_cast %reduce_max3A_74 : vector<1xi32> to vector<1x1x1xi32>
    %reduce_max3A_76 = vector.extract %reduce_max3A_75[0, 0, 0] : i32 from vector<1x1x1xi32>
    %while3A_77 = arith.constant 0 : i32
    %while3A_78 = arith.constant 0 : i32
    %while3A_79 = arith.subi %reduce_max3A_76, %while3A_78 : i32
    %while3A_80 = arith.addi %while3A_78, %while3A_79 : i32
    %while3A_81 = arith.constant 1 : i32
    %while3A_82 = arith.divsi %while3A_79, %while3A_81 : i32
    %while3A_83 = arith.muli %while3A_82, %while3A_81 : i32
    %while3A_84 = arith.addi %while3A_78, %while3A_83 : i32
    %while3A_85 = arith.constant 1 : i32
    scf.for %while3A_296 = %while3A_78 to %while3A_84 step %while3A_85  : i32 {
      %get3A_297 = arith.constant 256 : index
      %get3A_298 = arith.constant 0 : index
      %get3A_299 = vector.load %arg6[%get3A_297, %get3A_298] : memref<2048x1024xf32, #tpu.memory_space<vmem>>, vector<256x1024xf32>
      %reduce_min3A = arith.constant dense<0x7F800000> : vector<1024xf32>
      %reduce_min3A_300 = vector.multi_reduction <minimumf>, %get3A_299, %reduce_min3A [0] : vector<256x1024xf32> to vector<1024xf32>
      %broadcast_in_dim3A_301 = vector.shape_cast %reduce_min3A_300 : vector<1024xf32> to vector<1x1024xf32>
      %eq3A_302 = vector.broadcast %broadcast_in_dim3A_301 : vector<1x1024xf32> to vector<256x1024xf32>
      %eq3A_303 = arith.cmpf oeq, %get3A_299, %eq3A_302 : vector<256x1024xf32>
      %jit3A_304 = arith.constant 2147483647 : i32
      %broadcast_in_dim3A_305 = vector.broadcast %jit3A_304 : i32 to vector<256x1024xi32>
      %select_n3A_306 = arith.select %eq3A_303, %iota3A_22, %broadcast_in_dim3A_305 : vector<256x1024xi1>, vector<256x1024xi32>
      %reduce_min3A_307 = arith.constant dense<2147483647> : vector<1024xi32>
      %reduce_min3A_308 = vector.multi_reduction <minsi>, %select_n3A_306, %reduce_min3A_307 [0] : vector<256x1024xi32> to vector<1024xi32>
      %broadcast_in_dim3A_309 = vector.shape_cast %reduce_min3A_308 : vector<1024xi32> to vector<1x1024xi32>
      %eq3A_310 = vector.broadcast %broadcast_in_dim3A_309 : vector<1x1024xi32> to vector<256x1024xi32>
      %eq3A_311 = arith.cmpi eq, %iota3A_22, %eq3A_310 : vector<256x1024xi32>
      %jit3A_312 = arith.constant 3.000000e+38 : f32
      %broadcast_in_dim3A_313 = vector.broadcast %jit3A_312 : f32 to vector<256x1024xf32>
      %select_n3A_314 = arith.select %eq3A_311, %broadcast_in_dim3A_313, %get3A_299 : vector<256x1024xi1>, vector<256x1024xf32>
      %swap3A_315 = arith.constant 256 : index
      %swap3A_316 = arith.constant 0 : index
      %swap3A_317 = vector.load %arg6[%swap3A_315, %swap3A_316] : memref<2048x1024xf32, #tpu.memory_space<vmem>>, vector<256x1024xf32>
      tpu.vector_store %arg6[%swap3A_315, %swap3A_316], %select_n3A_314 {strides = array<i32>} : memref<2048x1024xf32, #tpu.memory_space<vmem>>, vector<256x1024xf32>,
      %add3A_318 = vector.broadcast %add3A_56 : i32 to vector<1x1024xi32>
      %add3A_319 = arith.addi %broadcast_in_dim3A_309, %add3A_318 : vector<1x1024xi32>
      %get3A_320 = arith.constant 0 : index
      %get3A_321 = arith.constant 0 : index
      %get3A_322 = vector.load %arg4[%get3A_320, %get3A_321] : memref<32x1024xf32, #tpu.memory_space<vmem>>, vector<32x1024xf32>
      %get3A_323 = arith.constant 0 : index
      %get3A_324 = arith.constant 0 : index
      %get3A_325 = vector.load %arg5[%get3A_323, %get3A_324] : memref<32x1024xi32, #tpu.memory_space<vmem>>, vector<32x1024xi32>
      %lt3A = vector.broadcast %broadcast_in_dim3A_301 : vector<1x1024xf32> to vector<32x1024xf32>
      %lt3A_326 = arith.cmpf olt, %get3A_322, %lt3A : vector<32x1024xf32>
      %eq3A_327 = vector.broadcast %broadcast_in_dim3A_301 : vector<1x1024xf32> to vector<32x1024xf32>
      %eq3A_328 = arith.cmpf oeq, %get3A_322, %eq3A_327 : vector<32x1024xf32>
      %lt3A_329 = vector.broadcast %add3A_319 : vector<1x1024xi32> to vector<32x1024xi32>
      %lt3A_330 = arith.cmpi slt, %get3A_325, %lt3A_329 : vector<32x1024xi32>
      %and3A = arith.andi %eq3A_328, %lt3A_330 : vector<32x1024xi1>
      %or3A = arith.ori %lt3A_326, %and3A : vector<32x1024xi1>
      %convert_element_type3A_331 = arith.extui %or3A : vector<32x1024xi1> to vector<32x1024xi32>
      %reduce_sum3A_332 = arith.constant dense<0> : vector<1024xi32>
      %reduce_sum3A_333 = vector.multi_reduction <add>, %convert_element_type3A_331, %reduce_sum3A_332 [0] : vector<32x1024xi32> to vector<1024xi32>
      %broadcast_in_dim3A_334 = vector.shape_cast %reduce_sum3A_333 : vector<1024xi32> to vector<1x1024xi32>
      %roll3A = arith.constant 1 : i32
      %roll3A_335 = tpu.dynamic_rotate %get3A_322 by %roll3A dim 0 : vector<32x1024xf32>, i32 -> vector<32x1024xf32>
      %roll3A_336 = arith.constant 1 : i32
      %roll3A_337 = tpu.dynamic_rotate %get3A_325 by %roll3A_336 dim 0 : vector<32x1024xi32>, i32 -> vector<32x1024xi32>
      %lt3A_338 = vector.broadcast %broadcast_in_dim3A_334 : vector<1x1024xi32> to vector<32x1024xi32>
      %lt3A_339 = arith.cmpi slt, %iota3A_21, %lt3A_338 : vector<32x1024xi32>
      %eq3A_340 = vector.broadcast %broadcast_in_dim3A_334 : vector<1x1024xi32> to vector<32x1024xi32>
      %eq3A_341 = arith.cmpi eq, %iota3A_21, %eq3A_340 : vector<32x1024xi32>
      %broadcast_in_dim3A_342 = vector.shape_cast %broadcast_in_dim3A_301 : vector<1x1024xf32> to vector<1x1024xf32>
      %broadcast_in_dim3A_343 = vector.broadcast %broadcast_in_dim3A_342 : vector<1x1024xf32> to vector<32x1024xf32>
      %select_n3A_344 = arith.select %eq3A_341, %broadcast_in_dim3A_343, %roll3A_335 : vector<32x1024xi1>, vector<32x1024xf32>
      %select_n3A_345 = arith.select %lt3A_339, %get3A_322, %select_n3A_344 : vector<32x1024xi1>, vector<32x1024xf32>
      %swap3A_346 = arith.constant 0 : index
      %swap3A_347 = arith.constant 0 : index
      %swap3A_348 = vector.load %arg4[%swap3A_346, %swap3A_347] : memref<32x1024xf32, #tpu.memory_space<vmem>>, vector<32x1024xf32>
      tpu.vector_store %arg4[%swap3A_346, %swap3A_347], %select_n3A_345 {strides = array<i32>} : memref<32x1024xf32, #tpu.memory_space<vmem>>, vector<32x1024xf32>,
      %lt3A_349 = vector.broadcast %broadcast_in_dim3A_334 : vector<1x1024xi32> to vector<32x1024xi32>
      %lt3A_350 = arith.cmpi slt, %iota3A_21, %lt3A_349 : vector<32x1024xi32>
      %eq3A_351 = vector.broadcast %broadcast_in_dim3A_334 : vector<1x1024xi32> to vector<32x1024xi32>
      %eq3A_352 = arith.cmpi eq, %iota3A_21, %eq3A_351 : vector<32x1024xi32>
      %broadcast_in_dim3A_353 = vector.shape_cast %add3A_319 : vector<1x1024xi32> to vector<1x1024xi32>
      %broadcast_in_dim3A_354 = vector.broadcast %broadcast_in_dim3A_353 : vector<1x1024xi32> to vector<32x1024xi32>
      %select_n3A_355 = arith.select %eq3A_352, %broadcast_in_dim3A_354, %roll3A_337 : vector<32x1024xi1>, vector<32x1024xi32>
      %select_n3A_356 = arith.select %lt3A_350, %get3A_325, %select_n3A_355 : vector<32x1024xi1>, vector<32x1024xi32>
      %swap3A_357 = arith.constant 0 : index
      %swap3A_358 = arith.constant 0 : index
      %swap3A_359 = vector.load %arg5[%swap3A_357, %swap3A_358] : memref<32x1024xi32, #tpu.memory_space<vmem>>, vector<32x1024xi32>
      tpu.vector_store %arg5[%swap3A_357, %swap3A_358], %select_n3A_356 {strides = array<i32>} : memref<32x1024xi32, #tpu.memory_space<vmem>>, vector<32x1024xi32>,
    }
    %while3A_86 = arith.constant 1 : i32
    scf.for %while3A_296 = %while3A_84 to %while3A_80 step %while3A_86  : i32 {
      %get3A_297 = arith.constant 256 : index
      %get3A_298 = arith.constant 0 : index
      %get3A_299 = vector.load %arg6[%get3A_297, %get3A_298] : memref<2048x1024xf32, #tpu.memory_space<vmem>>, vector<256x1024xf32>
      %reduce_min3A = arith.constant dense<0x7F800000> : vector<1024xf32>
      %reduce_min3A_300 = vector.multi_reduction <minimumf>, %get3A_299, %reduce_min3A [0] : vector<256x1024xf32> to vector<1024xf32>
      %broadcast_in_dim3A_301 = vector.shape_cast %reduce_min3A_300 : vector<1024xf32> to vector<1x1024xf32>
      %eq3A_302 = vector.broadcast %broadcast_in_dim3A_301 : vector<1x1024xf32> to vector<256x1024xf32>
      %eq3A_303 = arith.cmpf oeq, %get3A_299, %eq3A_302 : vector<256x1024xf32>
      %jit3A_304 = arith.constant 2147483647 : i32
      %broadcast_in_dim3A_305 = vector.broadcast %jit3A_304 : i32 to vector<256x1024xi32>
      %select_n3A_306 = arith.select %eq3A_303, %iota3A_22, %broadcast_in_dim3A_305 : vector<256x1024xi1>, vector<256x1024xi32>
      %reduce_min3A_307 = arith.constant dense<2147483647> : vector<1024xi32>
      %reduce_min3A_308 = vector.multi_reduction <minsi>, %select_n3A_306, %reduce_min3A_307 [0] : vector<256x1024xi32> to vector<1024xi32>
      %broadcast_in_dim3A_309 = vector.shape_cast %reduce_min3A_308 : vector<1024xi32> to vector<1x1024xi32>
      %eq3A_310 = vector.broadcast %broadcast_in_dim3A_309 : vector<1x1024xi32> to vector<256x1024xi32>
      %eq3A_311 = arith.cmpi eq, %iota3A_22, %eq3A_310 : vector<256x1024xi32>
      %jit3A_312 = arith.constant 3.000000e+38 : f32
      %broadcast_in_dim3A_313 = vector.broadcast %jit3A_312 : f32 to vector<256x1024xf32>
      %select_n3A_314 = arith.select %eq3A_311, %broadcast_in_dim3A_313, %get3A_299 : vector<256x1024xi1>, vector<256x1024xf32>
      %swap3A_315 = arith.constant 256 : index
      %swap3A_316 = arith.constant 0 : index
      %swap3A_317 = vector.load %arg6[%swap3A_315, %swap3A_316] : memref<2048x1024xf32, #tpu.memory_space<vmem>>, vector<256x1024xf32>
      tpu.vector_store %arg6[%swap3A_315, %swap3A_316], %select_n3A_314 {strides = array<i32>} : memref<2048x1024xf32, #tpu.memory_space<vmem>>, vector<256x1024xf32>,
      %add3A_318 = vector.broadcast %add3A_56 : i32 to vector<1x1024xi32>
      %add3A_319 = arith.addi %broadcast_in_dim3A_309, %add3A_318 : vector<1x1024xi32>
      %get3A_320 = arith.constant 0 : index
      %get3A_321 = arith.constant 0 : index
      %get3A_322 = vector.load %arg4[%get3A_320, %get3A_321] : memref<32x1024xf32, #tpu.memory_space<vmem>>, vector<32x1024xf32>
      %get3A_323 = arith.constant 0 : index
      %get3A_324 = arith.constant 0 : index
      %get3A_325 = vector.load %arg5[%get3A_323, %get3A_324] : memref<32x1024xi32, #tpu.memory_space<vmem>>, vector<32x1024xi32>
      %lt3A = vector.broadcast %broadcast_in_dim3A_301 : vector<1x1024xf32> to vector<32x1024xf32>
      %lt3A_326 = arith.cmpf olt, %get3A_322, %lt3A : vector<32x1024xf32>
      %eq3A_327 = vector.broadcast %broadcast_in_dim3A_301 : vector<1x1024xf32> to vector<32x1024xf32>
      %eq3A_328 = arith.cmpf oeq, %get3A_322, %eq3A_327 : vector<32x1024xf32>
      %lt3A_329 = vector.broadcast %add3A_319 : vector<1x1024xi32> to vector<32x1024xi32>
      %lt3A_330 = arith.cmpi slt, %get3A_325, %lt3A_329 : vector<32x1024xi32>
      %and3A = arith.andi %eq3A_328, %lt3A_330 : vector<32x1024xi1>
      %or3A = arith.ori %lt3A_326, %and3A : vector<32x1024xi1>
      %convert_element_type3A_331 = arith.extui %or3A : vector<32x1024xi1> to vector<32x1024xi32>
      %reduce_sum3A_332 = arith.constant dense<0> : vector<1024xi32>
      %reduce_sum3A_333 = vector.multi_reduction <add>, %convert_element_type3A_331, %reduce_sum3A_332 [0] : vector<32x1024xi32> to vector<1024xi32>
      %broadcast_in_dim3A_334 = vector.shape_cast %reduce_sum3A_333 : vector<1024xi32> to vector<1x1024xi32>
      %roll3A = arith.constant 1 : i32
      %roll3A_335 = tpu.dynamic_rotate %get3A_322 by %roll3A dim 0 : vector<32x1024xf32>, i32 -> vector<32x1024xf32>
      %roll3A_336 = arith.constant 1 : i32
      %roll3A_337 = tpu.dynamic_rotate %get3A_325 by %roll3A_336 dim 0 : vector<32x1024xi32>, i32 -> vector<32x1024xi32>
      %lt3A_338 = vector.broadcast %broadcast_in_dim3A_334 : vector<1x1024xi32> to vector<32x1024xi32>
      %lt3A_339 = arith.cmpi slt, %iota3A_21, %lt3A_338 : vector<32x1024xi32>
      %eq3A_340 = vector.broadcast %broadcast_in_dim3A_334 : vector<1x1024xi32> to vector<32x1024xi32>
      %eq3A_341 = arith.cmpi eq, %iota3A_21, %eq3A_340 : vector<32x1024xi32>
      %broadcast_in_dim3A_342 = vector.shape_cast %broadcast_in_dim3A_301 : vector<1x1024xf32> to vector<1x1024xf32>
      %broadcast_in_dim3A_343 = vector.broadcast %broadcast_in_dim3A_342 : vector<1x1024xf32> to vector<32x1024xf32>
      %select_n3A_344 = arith.select %eq3A_341, %broadcast_in_dim3A_343, %roll3A_335 : vector<32x1024xi1>, vector<32x1024xf32>
      %select_n3A_345 = arith.select %lt3A_339, %get3A_322, %select_n3A_344 : vector<32x1024xi1>, vector<32x1024xf32>
      %swap3A_346 = arith.constant 0 : index
      %swap3A_347 = arith.constant 0 : index
      %swap3A_348 = vector.load %arg4[%swap3A_346, %swap3A_347] : memref<32x1024xf32, #tpu.memory_space<vmem>>, vector<32x1024xf32>
      tpu.vector_store %arg4[%swap3A_346, %swap3A_347], %select_n3A_345 {strides = array<i32>} : memref<32x1024xf32, #tpu.memory_space<vmem>>, vector<32x1024xf32>,
      %lt3A_349 = vector.broadcast %broadcast_in_dim3A_334 : vector<1x1024xi32> to vector<32x1024xi32>
      %lt3A_350 = arith.cmpi slt, %iota3A_21, %lt3A_349 : vector<32x1024xi32>
      %eq3A_351 = vector.broadcast %broadcast_in_dim3A_334 : vector<1x1024xi32> to vector<32x1024xi32>
      %eq3A_352 = arith.cmpi eq, %iota3A_21, %eq3A_351 : vector<32x1024xi32>
      %broadcast_in_dim3A_353 = vector.shape_cast %add3A_319 : vector<1x1024xi32> to vector<1x1024xi32>
      %broadcast_in_dim3A_354 = vector.broadcast %broadcast_in_dim3A_353 : vector<1x1024xi32> to vector<32x1024xi32>
      %select_n3A_355 = arith.select %eq3A_352, %broadcast_in_dim3A_354, %roll3A_337 : vector<32x1024xi1>, vector<32x1024xi32>
      %select_n3A_356 = arith.select %lt3A_350, %get3A_325, %select_n3A_355 : vector<32x1024xi1>, vector<32x1024xi32>
      %swap3A_357 = arith.constant 0 : index
      %swap3A_358 = arith.constant 0 : index
      %swap3A_359 = vector.load %arg5[%swap3A_357, %swap3A_358] : memref<32x1024xi32, #tpu.memory_space<vmem>>, vector<32x1024xi32>
      tpu.vector_store %arg5[%swap3A_357, %swap3A_358], %select_n3A_356 {strides = array<i32>} : memref<32x1024xi32, #tpu.memory_space<vmem>>, vector<32x1024xi32>,
    }
    %mul3A_87 = arith.constant 2048 : i32
    %mul3A_88 = arith.muli %arg0, %mul3A_87 : i32
    %add3A_89 = arith.constant 512 : i32
    %add3A_90 = arith.addi %add3A_89, %mul3A_88 : i32
    %get3A_91 = arith.constant 31 : index
    %get3A_92 = arith.constant 0 : index
    %get3A_93 = vector.load %arg4[%get3A_91, %get3A_92] : memref<32x1024xf32, #tpu.memory_space<vmem>>, vector<1x1024xf32>
    %get3A_94 = arith.constant 512 : index
    %get3A_95 = arith.constant 0 : index
    %get3A_96 = vector.load %arg6[%get3A_94, %get3A_95] : memref<2048x1024xf32, #tpu.memory_space<vmem>>, vector<256x1024xf32>
    %le3A_97 = vector.broadcast %get3A_93 : vector<1x1024xf32> to vector<256x1024xf32>
    %le3A_98 = arith.cmpf ole, %get3A_96, %le3A_97 : vector<256x1024xf32>
    %convert_element_type3A_99 = arith.extui %le3A_98 : vector<256x1024xi1> to vector<256x1024xi32>
    %reduce_sum3A_100 = arith.constant dense<0> : vector<1024xi32>
    %reduce_sum3A_101 = vector.multi_reduction <add>, %convert_element_type3A_99, %reduce_sum3A_100 [0] : vector<256x1024xi32> to vector<1024xi32>
    %broadcast_in_dim3A_102 = vector.shape_cast %reduce_sum3A_101 : vector<1024xi32> to vector<1x1024xi32>
    %min3A_103 = arith.constant 32 : i32
    %min3A_104 = vector.broadcast %min3A_103 : i32 to vector<1x1024xi32>
    %min3A_105 = arith.minsi %broadcast_in_dim3A_102, %min3A_104 : vector<1x1024xi32>
    %reduce_max3A_106 = vector.shape_cast %min3A_105 : vector<1x1024xi32> to vector<1x1x1024xi32>
    %reduce_max3A_107 = arith.constant dense<-2147483648> : vector<1xi32>
    %reduce_max3A_108 = vector.multi_reduction <maxsi>, %reduce_max3A_106, %reduce_max3A_107 [1, 2] : vector<1x1x1024xi32> to vector<1xi32>
    %reduce_max3A_109 = vector.shape_cast %reduce_max3A_108 : vector<1xi32> to vector<1x1x1xi32>
    %reduce_max3A_110 = vector.extract %reduce_max3A_109[0, 0, 0] : i32 from vector<1x1x1xi32>
    %while3A_111 = arith.constant 0 : i32
    %while3A_112 = arith.constant 0 : i32
    %while3A_113 = arith.subi %reduce_max3A_110, %while3A_112 : i32
    %while3A_114 = arith.addi %while3A_112, %while3A_113 : i32
    %while3A_115 = arith.constant 1 : i32
    %while3A_116 = arith.divsi %while3A_113, %while3A_115 : i32
    %while3A_117 = arith.muli %while3A_116, %while3A_115 : i32
    %while3A_118 = arith.addi %while3A_112, %while3A_117 : i32
    %while3A_119 = arith.constant 1 : i32
    scf.for %while3A_296 = %while3A_112 to %while3A_118 step %while3A_119  : i32 {
      %get3A_297 = arith.constant 512 : index
      %get3A_298 = arith.constant 0 : index
      %get3A_299 = vector.load %arg6[%get3A_297, %get3A_298] : memref<2048x1024xf32, #tpu.memory_space<vmem>>, vector<256x1024xf32>
      %reduce_min3A = arith.constant dense<0x7F800000> : vector<1024xf32>
      %reduce_min3A_300 = vector.multi_reduction <minimumf>, %get3A_299, %reduce_min3A [0] : vector<256x1024xf32> to vector<1024xf32>
      %broadcast_in_dim3A_301 = vector.shape_cast %reduce_min3A_300 : vector<1024xf32> to vector<1x1024xf32>
      %eq3A_302 = vector.broadcast %broadcast_in_dim3A_301 : vector<1x1024xf32> to vector<256x1024xf32>
      %eq3A_303 = arith.cmpf oeq, %get3A_299, %eq3A_302 : vector<256x1024xf32>
      %jit3A_304 = arith.constant 2147483647 : i32
      %broadcast_in_dim3A_305 = vector.broadcast %jit3A_304 : i32 to vector<256x1024xi32>
      %select_n3A_306 = arith.select %eq3A_303, %iota3A_22, %broadcast_in_dim3A_305 : vector<256x1024xi1>, vector<256x1024xi32>
      %reduce_min3A_307 = arith.constant dense<2147483647> : vector<1024xi32>
      %reduce_min3A_308 = vector.multi_reduction <minsi>, %select_n3A_306, %reduce_min3A_307 [0] : vector<256x1024xi32> to vector<1024xi32>
      %broadcast_in_dim3A_309 = vector.shape_cast %reduce_min3A_308 : vector<1024xi32> to vector<1x1024xi32>
      %eq3A_310 = vector.broadcast %broadcast_in_dim3A_309 : vector<1x1024xi32> to vector<256x1024xi32>
      %eq3A_311 = arith.cmpi eq, %iota3A_22, %eq3A_310 : vector<256x1024xi32>
      %jit3A_312 = arith.constant 3.000000e+38 : f32
      %broadcast_in_dim3A_313 = vector.broadcast %jit3A_312 : f32 to vector<256x1024xf32>
      %select_n3A_314 = arith.select %eq3A_311, %broadcast_in_dim3A_313, %get3A_299 : vector<256x1024xi1>, vector<256x1024xf32>
      %swap3A_315 = arith.constant 512 : index
      %swap3A_316 = arith.constant 0 : index
      %swap3A_317 = vector.load %arg6[%swap3A_315, %swap3A_316] : memref<2048x1024xf32, #tpu.memory_space<vmem>>, vector<256x1024xf32>
      tpu.vector_store %arg6[%swap3A_315, %swap3A_316], %select_n3A_314 {strides = array<i32>} : memref<2048x1024xf32, #tpu.memory_space<vmem>>, vector<256x1024xf32>,
      %add3A_318 = vector.broadcast %add3A_90 : i32 to vector<1x1024xi32>
      %add3A_319 = arith.addi %broadcast_in_dim3A_309, %add3A_318 : vector<1x1024xi32>
      %get3A_320 = arith.constant 0 : index
      %get3A_321 = arith.constant 0 : index
      %get3A_322 = vector.load %arg4[%get3A_320, %get3A_321] : memref<32x1024xf32, #tpu.memory_space<vmem>>, vector<32x1024xf32>
      %get3A_323 = arith.constant 0 : index
      %get3A_324 = arith.constant 0 : index
      %get3A_325 = vector.load %arg5[%get3A_323, %get3A_324] : memref<32x1024xi32, #tpu.memory_space<vmem>>, vector<32x1024xi32>
      %lt3A = vector.broadcast %broadcast_in_dim3A_301 : vector<1x1024xf32> to vector<32x1024xf32>
      %lt3A_326 = arith.cmpf olt, %get3A_322, %lt3A : vector<32x1024xf32>
      %eq3A_327 = vector.broadcast %broadcast_in_dim3A_301 : vector<1x1024xf32> to vector<32x1024xf32>
      %eq3A_328 = arith.cmpf oeq, %get3A_322, %eq3A_327 : vector<32x1024xf32>
      %lt3A_329 = vector.broadcast %add3A_319 : vector<1x1024xi32> to vector<32x1024xi32>
      %lt3A_330 = arith.cmpi slt, %get3A_325, %lt3A_329 : vector<32x1024xi32>
      %and3A = arith.andi %eq3A_328, %lt3A_330 : vector<32x1024xi1>
      %or3A = arith.ori %lt3A_326, %and3A : vector<32x1024xi1>
      %convert_element_type3A_331 = arith.extui %or3A : vector<32x1024xi1> to vector<32x1024xi32>
      %reduce_sum3A_332 = arith.constant dense<0> : vector<1024xi32>
      %reduce_sum3A_333 = vector.multi_reduction <add>, %convert_element_type3A_331, %reduce_sum3A_332 [0] : vector<32x1024xi32> to vector<1024xi32>
      %broadcast_in_dim3A_334 = vector.shape_cast %reduce_sum3A_333 : vector<1024xi32> to vector<1x1024xi32>
      %roll3A = arith.constant 1 : i32
      %roll3A_335 = tpu.dynamic_rotate %get3A_322 by %roll3A dim 0 : vector<32x1024xf32>, i32 -> vector<32x1024xf32>
      %roll3A_336 = arith.constant 1 : i32
      %roll3A_337 = tpu.dynamic_rotate %get3A_325 by %roll3A_336 dim 0 : vector<32x1024xi32>, i32 -> vector<32x1024xi32>
      %lt3A_338 = vector.broadcast %broadcast_in_dim3A_334 : vector<1x1024xi32> to vector<32x1024xi32>
      %lt3A_339 = arith.cmpi slt, %iota3A_21, %lt3A_338 : vector<32x1024xi32>
      %eq3A_340 = vector.broadcast %broadcast_in_dim3A_334 : vector<1x1024xi32> to vector<32x1024xi32>
      %eq3A_341 = arith.cmpi eq, %iota3A_21, %eq3A_340 : vector<32x1024xi32>
      %broadcast_in_dim3A_342 = vector.shape_cast %broadcast_in_dim3A_301 : vector<1x1024xf32> to vector<1x1024xf32>
      %broadcast_in_dim3A_343 = vector.broadcast %broadcast_in_dim3A_342 : vector<1x1024xf32> to vector<32x1024xf32>
      %select_n3A_344 = arith.select %eq3A_341, %broadcast_in_dim3A_343, %roll3A_335 : vector<32x1024xi1>, vector<32x1024xf32>
      %select_n3A_345 = arith.select %lt3A_339, %get3A_322, %select_n3A_344 : vector<32x1024xi1>, vector<32x1024xf32>
      %swap3A_346 = arith.constant 0 : index
      %swap3A_347 = arith.constant 0 : index
      %swap3A_348 = vector.load %arg4[%swap3A_346, %swap3A_347] : memref<32x1024xf32, #tpu.memory_space<vmem>>, vector<32x1024xf32>
      tpu.vector_store %arg4[%swap3A_346, %swap3A_347], %select_n3A_345 {strides = array<i32>} : memref<32x1024xf32, #tpu.memory_space<vmem>>, vector<32x1024xf32>,
      %lt3A_349 = vector.broadcast %broadcast_in_dim3A_334 : vector<1x1024xi32> to vector<32x1024xi32>
      %lt3A_350 = arith.cmpi slt, %iota3A_21, %lt3A_349 : vector<32x1024xi32>
      %eq3A_351 = vector.broadcast %broadcast_in_dim3A_334 : vector<1x1024xi32> to vector<32x1024xi32>
      %eq3A_352 = arith.cmpi eq, %iota3A_21, %eq3A_351 : vector<32x1024xi32>
      %broadcast_in_dim3A_353 = vector.shape_cast %add3A_319 : vector<1x1024xi32> to vector<1x1024xi32>
      %broadcast_in_dim3A_354 = vector.broadcast %broadcast_in_dim3A_353 : vector<1x1024xi32> to vector<32x1024xi32>
      %select_n3A_355 = arith.select %eq3A_352, %broadcast_in_dim3A_354, %roll3A_337 : vector<32x1024xi1>, vector<32x1024xi32>
      %select_n3A_356 = arith.select %lt3A_350, %get3A_325, %select_n3A_355 : vector<32x1024xi1>, vector<32x1024xi32>
      %swap3A_357 = arith.constant 0 : index
      %swap3A_358 = arith.constant 0 : index
      %swap3A_359 = vector.load %arg5[%swap3A_357, %swap3A_358] : memref<32x1024xi32, #tpu.memory_space<vmem>>, vector<32x1024xi32>
      tpu.vector_store %arg5[%swap3A_357, %swap3A_358], %select_n3A_356 {strides = array<i32>} : memref<32x1024xi32, #tpu.memory_space<vmem>>, vector<32x1024xi32>,
    }
    %while3A_120 = arith.constant 1 : i32
    scf.for %while3A_296 = %while3A_118 to %while3A_114 step %while3A_120  : i32 {
      %get3A_297 = arith.constant 512 : index
      %get3A_298 = arith.constant 0 : index
      %get3A_299 = vector.load %arg6[%get3A_297, %get3A_298] : memref<2048x1024xf32, #tpu.memory_space<vmem>>, vector<256x1024xf32>
      %reduce_min3A = arith.constant dense<0x7F800000> : vector<1024xf32>
      %reduce_min3A_300 = vector.multi_reduction <minimumf>, %get3A_299, %reduce_min3A [0] : vector<256x1024xf32> to vector<1024xf32>
      %broadcast_in_dim3A_301 = vector.shape_cast %reduce_min3A_300 : vector<1024xf32> to vector<1x1024xf32>
      %eq3A_302 = vector.broadcast %broadcast_in_dim3A_301 : vector<1x1024xf32> to vector<256x1024xf32>
      %eq3A_303 = arith.cmpf oeq, %get3A_299, %eq3A_302 : vector<256x1024xf32>
      %jit3A_304 = arith.constant 2147483647 : i32
      %broadcast_in_dim3A_305 = vector.broadcast %jit3A_304 : i32 to vector<256x1024xi32>
      %select_n3A_306 = arith.select %eq3A_303, %iota3A_22, %broadcast_in_dim3A_305 : vector<256x1024xi1>, vector<256x1024xi32>
      %reduce_min3A_307 = arith.constant dense<2147483647> : vector<1024xi32>
      %reduce_min3A_308 = vector.multi_reduction <minsi>, %select_n3A_306, %reduce_min3A_307 [0] : vector<256x1024xi32> to vector<1024xi32>
      %broadcast_in_dim3A_309 = vector.shape_cast %reduce_min3A_308 : vector<1024xi32> to vector<1x1024xi32>
      %eq3A_310 = vector.broadcast %broadcast_in_dim3A_309 : vector<1x1024xi32> to vector<256x1024xi32>
      %eq3A_311 = arith.cmpi eq, %iota3A_22, %eq3A_310 : vector<256x1024xi32>
      %jit3A_312 = arith.constant 3.000000e+38 : f32
      %broadcast_in_dim3A_313 = vector.broadcast %jit3A_312 : f32 to vector<256x1024xf32>
      %select_n3A_314 = arith.select %eq3A_311, %broadcast_in_dim3A_313, %get3A_299 : vector<256x1024xi1>, vector<256x1024xf32>
      %swap3A_315 = arith.constant 512 : index
      %swap3A_316 = arith.constant 0 : index
      %swap3A_317 = vector.load %arg6[%swap3A_315, %swap3A_316] : memref<2048x1024xf32, #tpu.memory_space<vmem>>, vector<256x1024xf32>
      tpu.vector_store %arg6[%swap3A_315, %swap3A_316], %select_n3A_314 {strides = array<i32>} : memref<2048x1024xf32, #tpu.memory_space<vmem>>, vector<256x1024xf32>,
      %add3A_318 = vector.broadcast %add3A_90 : i32 to vector<1x1024xi32>
      %add3A_319 = arith.addi %broadcast_in_dim3A_309, %add3A_318 : vector<1x1024xi32>
      %get3A_320 = arith.constant 0 : index
      %get3A_321 = arith.constant 0 : index
      %get3A_322 = vector.load %arg4[%get3A_320, %get3A_321] : memref<32x1024xf32, #tpu.memory_space<vmem>>, vector<32x1024xf32>
      %get3A_323 = arith.constant 0 : index
      %get3A_324 = arith.constant 0 : index
      %get3A_325 = vector.load %arg5[%get3A_323, %get3A_324] : memref<32x1024xi32, #tpu.memory_space<vmem>>, vector<32x1024xi32>
      %lt3A = vector.broadcast %broadcast_in_dim3A_301 : vector<1x1024xf32> to vector<32x1024xf32>
      %lt3A_326 = arith.cmpf olt, %get3A_322, %lt3A : vector<32x1024xf32>
      %eq3A_327 = vector.broadcast %broadcast_in_dim3A_301 : vector<1x1024xf32> to vector<32x1024xf32>
      %eq3A_328 = arith.cmpf oeq, %get3A_322, %eq3A_327 : vector<32x1024xf32>
      %lt3A_329 = vector.broadcast %add3A_319 : vector<1x1024xi32> to vector<32x1024xi32>
      %lt3A_330 = arith.cmpi slt, %get3A_325, %lt3A_329 : vector<32x1024xi32>
      %and3A = arith.andi %eq3A_328, %lt3A_330 : vector<32x1024xi1>
      %or3A = arith.ori %lt3A_326, %and3A : vector<32x1024xi1>
      %convert_element_type3A_331 = arith.extui %or3A : vector<32x1024xi1> to vector<32x1024xi32>
      %reduce_sum3A_332 = arith.constant dense<0> : vector<1024xi32>
      %reduce_sum3A_333 = vector.multi_reduction <add>, %convert_element_type3A_331, %reduce_sum3A_332 [0] : vector<32x1024xi32> to vector<1024xi32>
      %broadcast_in_dim3A_334 = vector.shape_cast %reduce_sum3A_333 : vector<1024xi32> to vector<1x1024xi32>
      %roll3A = arith.constant 1 : i32
      %roll3A_335 = tpu.dynamic_rotate %get3A_322 by %roll3A dim 0 : vector<32x1024xf32>, i32 -> vector<32x1024xf32>
      %roll3A_336 = arith.constant 1 : i32
      %roll3A_337 = tpu.dynamic_rotate %get3A_325 by %roll3A_336 dim 0 : vector<32x1024xi32>, i32 -> vector<32x1024xi32>
      %lt3A_338 = vector.broadcast %broadcast_in_dim3A_334 : vector<1x1024xi32> to vector<32x1024xi32>
      %lt3A_339 = arith.cmpi slt, %iota3A_21, %lt3A_338 : vector<32x1024xi32>
      %eq3A_340 = vector.broadcast %broadcast_in_dim3A_334 : vector<1x1024xi32> to vector<32x1024xi32>
      %eq3A_341 = arith.cmpi eq, %iota3A_21, %eq3A_340 : vector<32x1024xi32>
      %broadcast_in_dim3A_342 = vector.shape_cast %broadcast_in_dim3A_301 : vector<1x1024xf32> to vector<1x1024xf32>
      %broadcast_in_dim3A_343 = vector.broadcast %broadcast_in_dim3A_342 : vector<1x1024xf32> to vector<32x1024xf32>
      %select_n3A_344 = arith.select %eq3A_341, %broadcast_in_dim3A_343, %roll3A_335 : vector<32x1024xi1>, vector<32x1024xf32>
      %select_n3A_345 = arith.select %lt3A_339, %get3A_322, %select_n3A_344 : vector<32x1024xi1>, vector<32x1024xf32>
      %swap3A_346 = arith.constant 0 : index
      %swap3A_347 = arith.constant 0 : index
      %swap3A_348 = vector.load %arg4[%swap3A_346, %swap3A_347] : memref<32x1024xf32, #tpu.memory_space<vmem>>, vector<32x1024xf32>
      tpu.vector_store %arg4[%swap3A_346, %swap3A_347], %select_n3A_345 {strides = array<i32>} : memref<32x1024xf32, #tpu.memory_space<vmem>>, vector<32x1024xf32>,
      %lt3A_349 = vector.broadcast %broadcast_in_dim3A_334 : vector<1x1024xi32> to vector<32x1024xi32>
      %lt3A_350 = arith.cmpi slt, %iota3A_21, %lt3A_349 : vector<32x1024xi32>
      %eq3A_351 = vector.broadcast %broadcast_in_dim3A_334 : vector<1x1024xi32> to vector<32x1024xi32>
      %eq3A_352 = arith.cmpi eq, %iota3A_21, %eq3A_351 : vector<32x1024xi32>
      %broadcast_in_dim3A_353 = vector.shape_cast %add3A_319 : vector<1x1024xi32> to vector<1x1024xi32>
      %broadcast_in_dim3A_354 = vector.broadcast %broadcast_in_dim3A_353 : vector<1x1024xi32> to vector<32x1024xi32>
      %select_n3A_355 = arith.select %eq3A_352, %broadcast_in_dim3A_354, %roll3A_337 : vector<32x1024xi1>, vector<32x1024xi32>
      %select_n3A_356 = arith.select %lt3A_350, %get3A_325, %select_n3A_355 : vector<32x1024xi1>, vector<32x1024xi32>
      %swap3A_357 = arith.constant 0 : index
      %swap3A_358 = arith.constant 0 : index
      %swap3A_359 = vector.load %arg5[%swap3A_357, %swap3A_358] : memref<32x1024xi32, #tpu.memory_space<vmem>>, vector<32x1024xi32>
      tpu.vector_store %arg5[%swap3A_357, %swap3A_358], %select_n3A_356 {strides = array<i32>} : memref<32x1024xi32, #tpu.memory_space<vmem>>, vector<32x1024xi32>,
    }
    %mul3A_121 = arith.constant 2048 : i32
    %mul3A_122 = arith.muli %arg0, %mul3A_121 : i32
    %add3A_123 = arith.constant 768 : i32
    %add3A_124 = arith.addi %add3A_123, %mul3A_122 : i32
    %get3A_125 = arith.constant 31 : index
    %get3A_126 = arith.constant 0 : index
    %get3A_127 = vector.load %arg4[%get3A_125, %get3A_126] : memref<32x1024xf32, #tpu.memory_space<vmem>>, vector<1x1024xf32>
    %get3A_128 = arith.constant 768 : index
    %get3A_129 = arith.constant 0 : index
    %get3A_130 = vector.load %arg6[%get3A_128, %get3A_129] : memref<2048x1024xf32, #tpu.memory_space<vmem>>, vector<256x1024xf32>
    %le3A_131 = vector.broadcast %get3A_127 : vector<1x1024xf32> to vector<256x1024xf32>
    %le3A_132 = arith.cmpf ole, %get3A_130, %le3A_131 : vector<256x1024xf32>
    %convert_element_type3A_133 = arith.extui %le3A_132 : vector<256x1024xi1> to vector<256x1024xi32>
    %reduce_sum3A_134 = arith.constant dense<0> : vector<1024xi32>
    %reduce_sum3A_135 = vector.multi_reduction <add>, %convert_element_type3A_133, %reduce_sum3A_134 [0] : vector<256x1024xi32> to vector<1024xi32>
    %broadcast_in_dim3A_136 = vector.shape_cast %reduce_sum3A_135 : vector<1024xi32> to vector<1x1024xi32>
    %min3A_137 = arith.constant 32 : i32
    %min3A_138 = vector.broadcast %min3A_137 : i32 to vector<1x1024xi32>
    %min3A_139 = arith.minsi %broadcast_in_dim3A_136, %min3A_138 : vector<1x1024xi32>
    %reduce_max3A_140 = vector.shape_cast %min3A_139 : vector<1x1024xi32> to vector<1x1x1024xi32>
    %reduce_max3A_141 = arith.constant dense<-2147483648> : vector<1xi32>
    %reduce_max3A_142 = vector.multi_reduction <maxsi>, %reduce_max3A_140, %reduce_max3A_141 [1, 2] : vector<1x1x1024xi32> to vector<1xi32>
    %reduce_max3A_143 = vector.shape_cast %reduce_max3A_142 : vector<1xi32> to vector<1x1x1xi32>
    %reduce_max3A_144 = vector.extract %reduce_max3A_143[0, 0, 0] : i32 from vector<1x1x1xi32>
    %while3A_145 = arith.constant 0 : i32
    %while3A_146 = arith.constant 0 : i32
    %while3A_147 = arith.subi %reduce_max3A_144, %while3A_146 : i32
    %while3A_148 = arith.addi %while3A_146, %while3A_147 : i32
    %while3A_149 = arith.constant 1 : i32
    %while3A_150 = arith.divsi %while3A_147, %while3A_149 : i32
    %while3A_151 = arith.muli %while3A_150, %while3A_149 : i32
    %while3A_152 = arith.addi %while3A_146, %while3A_151 : i32
    %while3A_153 = arith.constant 1 : i32
    scf.for %while3A_296 = %while3A_146 to %while3A_152 step %while3A_153  : i32 {
      %get3A_297 = arith.constant 768 : index
      %get3A_298 = arith.constant 0 : index
      %get3A_299 = vector.load %arg6[%get3A_297, %get3A_298] : memref<2048x1024xf32, #tpu.memory_space<vmem>>, vector<256x1024xf32>
      %reduce_min3A = arith.constant dense<0x7F800000> : vector<1024xf32>
      %reduce_min3A_300 = vector.multi_reduction <minimumf>, %get3A_299, %reduce_min3A [0] : vector<256x1024xf32> to vector<1024xf32>
      %broadcast_in_dim3A_301 = vector.shape_cast %reduce_min3A_300 : vector<1024xf32> to vector<1x1024xf32>
      %eq3A_302 = vector.broadcast %broadcast_in_dim3A_301 : vector<1x1024xf32> to vector<256x1024xf32>
      %eq3A_303 = arith.cmpf oeq, %get3A_299, %eq3A_302 : vector<256x1024xf32>
      %jit3A_304 = arith.constant 2147483647 : i32
      %broadcast_in_dim3A_305 = vector.broadcast %jit3A_304 : i32 to vector<256x1024xi32>
      %select_n3A_306 = arith.select %eq3A_303, %iota3A_22, %broadcast_in_dim3A_305 : vector<256x1024xi1>, vector<256x1024xi32>
      %reduce_min3A_307 = arith.constant dense<2147483647> : vector<1024xi32>
      %reduce_min3A_308 = vector.multi_reduction <minsi>, %select_n3A_306, %reduce_min3A_307 [0] : vector<256x1024xi32> to vector<1024xi32>
      %broadcast_in_dim3A_309 = vector.shape_cast %reduce_min3A_308 : vector<1024xi32> to vector<1x1024xi32>
      %eq3A_310 = vector.broadcast %broadcast_in_dim3A_309 : vector<1x1024xi32> to vector<256x1024xi32>
      %eq3A_311 = arith.cmpi eq, %iota3A_22, %eq3A_310 : vector<256x1024xi32>
      %jit3A_312 = arith.constant 3.000000e+38 : f32
      %broadcast_in_dim3A_313 = vector.broadcast %jit3A_312 : f32 to vector<256x1024xf32>
      %select_n3A_314 = arith.select %eq3A_311, %broadcast_in_dim3A_313, %get3A_299 : vector<256x1024xi1>, vector<256x1024xf32>
      %swap3A_315 = arith.constant 768 : index
      %swap3A_316 = arith.constant 0 : index
      %swap3A_317 = vector.load %arg6[%swap3A_315, %swap3A_316] : memref<2048x1024xf32, #tpu.memory_space<vmem>>, vector<256x1024xf32>
      tpu.vector_store %arg6[%swap3A_315, %swap3A_316], %select_n3A_314 {strides = array<i32>} : memref<2048x1024xf32, #tpu.memory_space<vmem>>, vector<256x1024xf32>,
      %add3A_318 = vector.broadcast %add3A_124 : i32 to vector<1x1024xi32>
      %add3A_319 = arith.addi %broadcast_in_dim3A_309, %add3A_318 : vector<1x1024xi32>
      %get3A_320 = arith.constant 0 : index
      %get3A_321 = arith.constant 0 : index
      %get3A_322 = vector.load %arg4[%get3A_320, %get3A_321] : memref<32x1024xf32, #tpu.memory_space<vmem>>, vector<32x1024xf32>
      %get3A_323 = arith.constant 0 : index
      %get3A_324 = arith.constant 0 : index
      %get3A_325 = vector.load %arg5[%get3A_323, %get3A_324] : memref<32x1024xi32, #tpu.memory_space<vmem>>, vector<32x1024xi32>
      %lt3A = vector.broadcast %broadcast_in_dim3A_301 : vector<1x1024xf32> to vector<32x1024xf32>
      %lt3A_326 = arith.cmpf olt, %get3A_322, %lt3A : vector<32x1024xf32>
      %eq3A_327 = vector.broadcast %broadcast_in_dim3A_301 : vector<1x1024xf32> to vector<32x1024xf32>
      %eq3A_328 = arith.cmpf oeq, %get3A_322, %eq3A_327 : vector<32x1024xf32>
      %lt3A_329 = vector.broadcast %add3A_319 : vector<1x1024xi32> to vector<32x1024xi32>
      %lt3A_330 = arith.cmpi slt, %get3A_325, %lt3A_329 : vector<32x1024xi32>
      %and3A = arith.andi %eq3A_328, %lt3A_330 : vector<32x1024xi1>
      %or3A = arith.ori %lt3A_326, %and3A : vector<32x1024xi1>
      %convert_element_type3A_331 = arith.extui %or3A : vector<32x1024xi1> to vector<32x1024xi32>
      %reduce_sum3A_332 = arith.constant dense<0> : vector<1024xi32>
      %reduce_sum3A_333 = vector.multi_reduction <add>, %convert_element_type3A_331, %reduce_sum3A_332 [0] : vector<32x1024xi32> to vector<1024xi32>
      %broadcast_in_dim3A_334 = vector.shape_cast %reduce_sum3A_333 : vector<1024xi32> to vector<1x1024xi32>
      %roll3A = arith.constant 1 : i32
      %roll3A_335 = tpu.dynamic_rotate %get3A_322 by %roll3A dim 0 : vector<32x1024xf32>, i32 -> vector<32x1024xf32>
      %roll3A_336 = arith.constant 1 : i32
      %roll3A_337 = tpu.dynamic_rotate %get3A_325 by %roll3A_336 dim 0 : vector<32x1024xi32>, i32 -> vector<32x1024xi32>
      %lt3A_338 = vector.broadcast %broadcast_in_dim3A_334 : vector<1x1024xi32> to vector<32x1024xi32>
      %lt3A_339 = arith.cmpi slt, %iota3A_21, %lt3A_338 : vector<32x1024xi32>
      %eq3A_340 = vector.broadcast %broadcast_in_dim3A_334 : vector<1x1024xi32> to vector<32x1024xi32>
      %eq3A_341 = arith.cmpi eq, %iota3A_21, %eq3A_340 : vector<32x1024xi32>
      %broadcast_in_dim3A_342 = vector.shape_cast %broadcast_in_dim3A_301 : vector<1x1024xf32> to vector<1x1024xf32>
      %broadcast_in_dim3A_343 = vector.broadcast %broadcast_in_dim3A_342 : vector<1x1024xf32> to vector<32x1024xf32>
      %select_n3A_344 = arith.select %eq3A_341, %broadcast_in_dim3A_343, %roll3A_335 : vector<32x1024xi1>, vector<32x1024xf32>
      %select_n3A_345 = arith.select %lt3A_339, %get3A_322, %select_n3A_344 : vector<32x1024xi1>, vector<32x1024xf32>
      %swap3A_346 = arith.constant 0 : index
      %swap3A_347 = arith.constant 0 : index
      %swap3A_348 = vector.load %arg4[%swap3A_346, %swap3A_347] : memref<32x1024xf32, #tpu.memory_space<vmem>>, vector<32x1024xf32>
      tpu.vector_store %arg4[%swap3A_346, %swap3A_347], %select_n3A_345 {strides = array<i32>} : memref<32x1024xf32, #tpu.memory_space<vmem>>, vector<32x1024xf32>,
      %lt3A_349 = vector.broadcast %broadcast_in_dim3A_334 : vector<1x1024xi32> to vector<32x1024xi32>
      %lt3A_350 = arith.cmpi slt, %iota3A_21, %lt3A_349 : vector<32x1024xi32>
      %eq3A_351 = vector.broadcast %broadcast_in_dim3A_334 : vector<1x1024xi32> to vector<32x1024xi32>
      %eq3A_352 = arith.cmpi eq, %iota3A_21, %eq3A_351 : vector<32x1024xi32>
      %broadcast_in_dim3A_353 = vector.shape_cast %add3A_319 : vector<1x1024xi32> to vector<1x1024xi32>
      %broadcast_in_dim3A_354 = vector.broadcast %broadcast_in_dim3A_353 : vector<1x1024xi32> to vector<32x1024xi32>
      %select_n3A_355 = arith.select %eq3A_352, %broadcast_in_dim3A_354, %roll3A_337 : vector<32x1024xi1>, vector<32x1024xi32>
      %select_n3A_356 = arith.select %lt3A_350, %get3A_325, %select_n3A_355 : vector<32x1024xi1>, vector<32x1024xi32>
      %swap3A_357 = arith.constant 0 : index
      %swap3A_358 = arith.constant 0 : index
      %swap3A_359 = vector.load %arg5[%swap3A_357, %swap3A_358] : memref<32x1024xi32, #tpu.memory_space<vmem>>, vector<32x1024xi32>
      tpu.vector_store %arg5[%swap3A_357, %swap3A_358], %select_n3A_356 {strides = array<i32>} : memref<32x1024xi32, #tpu.memory_space<vmem>>, vector<32x1024xi32>,
    }
    %while3A_154 = arith.constant 1 : i32
    scf.for %while3A_296 = %while3A_152 to %while3A_148 step %while3A_154  : i32 {
      %get3A_297 = arith.constant 768 : index
      %get3A_298 = arith.constant 0 : index
      %get3A_299 = vector.load %arg6[%get3A_297, %get3A_298] : memref<2048x1024xf32, #tpu.memory_space<vmem>>, vector<256x1024xf32>
      %reduce_min3A = arith.constant dense<0x7F800000> : vector<1024xf32>
      %reduce_min3A_300 = vector.multi_reduction <minimumf>, %get3A_299, %reduce_min3A [0] : vector<256x1024xf32> to vector<1024xf32>
      %broadcast_in_dim3A_301 = vector.shape_cast %reduce_min3A_300 : vector<1024xf32> to vector<1x1024xf32>
      %eq3A_302 = vector.broadcast %broadcast_in_dim3A_301 : vector<1x1024xf32> to vector<256x1024xf32>
      %eq3A_303 = arith.cmpf oeq, %get3A_299, %eq3A_302 : vector<256x1024xf32>
      %jit3A_304 = arith.constant 2147483647 : i32
      %broadcast_in_dim3A_305 = vector.broadcast %jit3A_304 : i32 to vector<256x1024xi32>
      %select_n3A_306 = arith.select %eq3A_303, %iota3A_22, %broadcast_in_dim3A_305 : vector<256x1024xi1>, vector<256x1024xi32>
      %reduce_min3A_307 = arith.constant dense<2147483647> : vector<1024xi32>
      %reduce_min3A_308 = vector.multi_reduction <minsi>, %select_n3A_306, %reduce_min3A_307 [0] : vector<256x1024xi32> to vector<1024xi32>
      %broadcast_in_dim3A_309 = vector.shape_cast %reduce_min3A_308 : vector<1024xi32> to vector<1x1024xi32>
      %eq3A_310 = vector.broadcast %broadcast_in_dim3A_309 : vector<1x1024xi32> to vector<256x1024xi32>
      %eq3A_311 = arith.cmpi eq, %iota3A_22, %eq3A_310 : vector<256x1024xi32>
      %jit3A_312 = arith.constant 3.000000e+38 : f32
      %broadcast_in_dim3A_313 = vector.broadcast %jit3A_312 : f32 to vector<256x1024xf32>
      %select_n3A_314 = arith.select %eq3A_311, %broadcast_in_dim3A_313, %get3A_299 : vector<256x1024xi1>, vector<256x1024xf32>
      %swap3A_315 = arith.constant 768 : index
      %swap3A_316 = arith.constant 0 : index
      %swap3A_317 = vector.load %arg6[%swap3A_315, %swap3A_316] : memref<2048x1024xf32, #tpu.memory_space<vmem>>, vector<256x1024xf32>
      tpu.vector_store %arg6[%swap3A_315, %swap3A_316], %select_n3A_314 {strides = array<i32>} : memref<2048x1024xf32, #tpu.memory_space<vmem>>, vector<256x1024xf32>,
      %add3A_318 = vector.broadcast %add3A_124 : i32 to vector<1x1024xi32>
      %add3A_319 = arith.addi %broadcast_in_dim3A_309, %add3A_318 : vector<1x1024xi32>
      %get3A_320 = arith.constant 0 : index
      %get3A_321 = arith.constant 0 : index
      %get3A_322 = vector.load %arg4[%get3A_320, %get3A_321] : memref<32x1024xf32, #tpu.memory_space<vmem>>, vector<32x1024xf32>
      %get3A_323 = arith.constant 0 : index
      %get3A_324 = arith.constant 0 : index
      %get3A_325 = vector.load %arg5[%get3A_323, %get3A_324] : memref<32x1024xi32, #tpu.memory_space<vmem>>, vector<32x1024xi32>
      %lt3A = vector.broadcast %broadcast_in_dim3A_301 : vector<1x1024xf32> to vector<32x1024xf32>
      %lt3A_326 = arith.cmpf olt, %get3A_322, %lt3A : vector<32x1024xf32>
      %eq3A_327 = vector.broadcast %broadcast_in_dim3A_301 : vector<1x1024xf32> to vector<32x1024xf32>
      %eq3A_328 = arith.cmpf oeq, %get3A_322, %eq3A_327 : vector<32x1024xf32>
      %lt3A_329 = vector.broadcast %add3A_319 : vector<1x1024xi32> to vector<32x1024xi32>
      %lt3A_330 = arith.cmpi slt, %get3A_325, %lt3A_329 : vector<32x1024xi32>
      %and3A = arith.andi %eq3A_328, %lt3A_330 : vector<32x1024xi1>
      %or3A = arith.ori %lt3A_326, %and3A : vector<32x1024xi1>
      %convert_element_type3A_331 = arith.extui %or3A : vector<32x1024xi1> to vector<32x1024xi32>
      %reduce_sum3A_332 = arith.constant dense<0> : vector<1024xi32>
      %reduce_sum3A_333 = vector.multi_reduction <add>, %convert_element_type3A_331, %reduce_sum3A_332 [0] : vector<32x1024xi32> to vector<1024xi32>
      %broadcast_in_dim3A_334 = vector.shape_cast %reduce_sum3A_333 : vector<1024xi32> to vector<1x1024xi32>
      %roll3A = arith.constant 1 : i32
      %roll3A_335 = tpu.dynamic_rotate %get3A_322 by %roll3A dim 0 : vector<32x1024xf32>, i32 -> vector<32x1024xf32>
      %roll3A_336 = arith.constant 1 : i32
      %roll3A_337 = tpu.dynamic_rotate %get3A_325 by %roll3A_336 dim 0 : vector<32x1024xi32>, i32 -> vector<32x1024xi32>
      %lt3A_338 = vector.broadcast %broadcast_in_dim3A_334 : vector<1x1024xi32> to vector<32x1024xi32>
      %lt3A_339 = arith.cmpi slt, %iota3A_21, %lt3A_338 : vector<32x1024xi32>
      %eq3A_340 = vector.broadcast %broadcast_in_dim3A_334 : vector<1x1024xi32> to vector<32x1024xi32>
      %eq3A_341 = arith.cmpi eq, %iota3A_21, %eq3A_340 : vector<32x1024xi32>
      %broadcast_in_dim3A_342 = vector.shape_cast %broadcast_in_dim3A_301 : vector<1x1024xf32> to vector<1x1024xf32>
      %broadcast_in_dim3A_343 = vector.broadcast %broadcast_in_dim3A_342 : vector<1x1024xf32> to vector<32x1024xf32>
      %select_n3A_344 = arith.select %eq3A_341, %broadcast_in_dim3A_343, %roll3A_335 : vector<32x1024xi1>, vector<32x1024xf32>
      %select_n3A_345 = arith.select %lt3A_339, %get3A_322, %select_n3A_344 : vector<32x1024xi1>, vector<32x1024xf32>
      %swap3A_346 = arith.constant 0 : index
      %swap3A_347 = arith.constant 0 : index
      %swap3A_348 = vector.load %arg4[%swap3A_346, %swap3A_347] : memref<32x1024xf32, #tpu.memory_space<vmem>>, vector<32x1024xf32>
      tpu.vector_store %arg4[%swap3A_346, %swap3A_347], %select_n3A_345 {strides = array<i32>} : memref<32x1024xf32, #tpu.memory_space<vmem>>, vector<32x1024xf32>,
      %lt3A_349 = vector.broadcast %broadcast_in_dim3A_334 : vector<1x1024xi32> to vector<32x1024xi32>
      %lt3A_350 = arith.cmpi slt, %iota3A_21, %lt3A_349 : vector<32x1024xi32>
      %eq3A_351 = vector.broadcast %broadcast_in_dim3A_334 : vector<1x1024xi32> to vector<32x1024xi32>
      %eq3A_352 = arith.cmpi eq, %iota3A_21, %eq3A_351 : vector<32x1024xi32>
      %broadcast_in_dim3A_353 = vector.shape_cast %add3A_319 : vector<1x1024xi32> to vector<1x1024xi32>
      %broadcast_in_dim3A_354 = vector.broadcast %broadcast_in_dim3A_353 : vector<1x1024xi32> to vector<32x1024xi32>
      %select_n3A_355 = arith.select %eq3A_352, %broadcast_in_dim3A_354, %roll3A_337 : vector<32x1024xi1>, vector<32x1024xi32>
      %select_n3A_356 = arith.select %lt3A_350, %get3A_325, %select_n3A_355 : vector<32x1024xi1>, vector<32x1024xi32>
      %swap3A_357 = arith.constant 0 : index
      %swap3A_358 = arith.constant 0 : index
      %swap3A_359 = vector.load %arg5[%swap3A_357, %swap3A_358] : memref<32x1024xi32, #tpu.memory_space<vmem>>, vector<32x1024xi32>
      tpu.vector_store %arg5[%swap3A_357, %swap3A_358], %select_n3A_356 {strides = array<i32>} : memref<32x1024xi32, #tpu.memory_space<vmem>>, vector<32x1024xi32>,
    }
    %mul3A_155 = arith.constant 2048 : i32
    %mul3A_156 = arith.muli %arg0, %mul3A_155 : i32
    %add3A_157 = arith.constant 1024 : i32
    %add3A_158 = arith.addi %add3A_157, %mul3A_156 : i32
    %get3A_159 = arith.constant 31 : index
    %get3A_160 = arith.constant 0 : index
    %get3A_161 = vector.load %arg4[%get3A_159, %get3A_160] : memref<32x1024xf32, #tpu.memory_space<vmem>>, vector<1x1024xf32>
    %get3A_162 = arith.constant 1024 : index
    %get3A_163 = arith.constant 0 : index
    %get3A_164 = vector.load %arg6[%get3A_162, %get3A_163] : memref<2048x1024xf32, #tpu.memory_space<vmem>>, vector<256x1024xf32>
    %le3A_165 = vector.broadcast %get3A_161 : vector<1x1024xf32> to vector<256x1024xf32>
    %le3A_166 = arith.cmpf ole, %get3A_164, %le3A_165 : vector<256x1024xf32>
    %convert_element_type3A_167 = arith.extui %le3A_166 : vector<256x1024xi1> to vector<256x1024xi32>
    %reduce_sum3A_168 = arith.constant dense<0> : vector<1024xi32>
    %reduce_sum3A_169 = vector.multi_reduction <add>, %convert_element_type3A_167, %reduce_sum3A_168 [0] : vector<256x1024xi32> to vector<1024xi32>
    %broadcast_in_dim3A_170 = vector.shape_cast %reduce_sum3A_169 : vector<1024xi32> to vector<1x1024xi32>
    %min3A_171 = arith.constant 32 : i32
    %min3A_172 = vector.broadcast %min3A_171 : i32 to vector<1x1024xi32>
    %min3A_173 = arith.minsi %broadcast_in_dim3A_170, %min3A_172 : vector<1x1024xi32>
    %reduce_max3A_174 = vector.shape_cast %min3A_173 : vector<1x1024xi32> to vector<1x1x1024xi32>
    %reduce_max3A_175 = arith.constant dense<-2147483648> : vector<1xi32>
    %reduce_max3A_176 = vector.multi_reduction <maxsi>, %reduce_max3A_174, %reduce_max3A_175 [1, 2] : vector<1x1x1024xi32> to vector<1xi32>
    %reduce_max3A_177 = vector.shape_cast %reduce_max3A_176 : vector<1xi32> to vector<1x1x1xi32>
    %reduce_max3A_178 = vector.extract %reduce_max3A_177[0, 0, 0] : i32 from vector<1x1x1xi32>
    %while3A_179 = arith.constant 0 : i32
    %while3A_180 = arith.constant 0 : i32
    %while3A_181 = arith.subi %reduce_max3A_178, %while3A_180 : i32
    %while3A_182 = arith.addi %while3A_180, %while3A_181 : i32
    %while3A_183 = arith.constant 1 : i32
    %while3A_184 = arith.divsi %while3A_181, %while3A_183 : i32
    %while3A_185 = arith.muli %while3A_184, %while3A_183 : i32
    %while3A_186 = arith.addi %while3A_180, %while3A_185 : i32
    %while3A_187 = arith.constant 1 : i32
    scf.for %while3A_296 = %while3A_180 to %while3A_186 step %while3A_187  : i32 {
      %get3A_297 = arith.constant 1024 : index
      %get3A_298 = arith.constant 0 : index
      %get3A_299 = vector.load %arg6[%get3A_297, %get3A_298] : memref<2048x1024xf32, #tpu.memory_space<vmem>>, vector<256x1024xf32>
      %reduce_min3A = arith.constant dense<0x7F800000> : vector<1024xf32>
      %reduce_min3A_300 = vector.multi_reduction <minimumf>, %get3A_299, %reduce_min3A [0] : vector<256x1024xf32> to vector<1024xf32>
      %broadcast_in_dim3A_301 = vector.shape_cast %reduce_min3A_300 : vector<1024xf32> to vector<1x1024xf32>
      %eq3A_302 = vector.broadcast %broadcast_in_dim3A_301 : vector<1x1024xf32> to vector<256x1024xf32>
      %eq3A_303 = arith.cmpf oeq, %get3A_299, %eq3A_302 : vector<256x1024xf32>
      %jit3A_304 = arith.constant 2147483647 : i32
      %broadcast_in_dim3A_305 = vector.broadcast %jit3A_304 : i32 to vector<256x1024xi32>
      %select_n3A_306 = arith.select %eq3A_303, %iota3A_22, %broadcast_in_dim3A_305 : vector<256x1024xi1>, vector<256x1024xi32>
      %reduce_min3A_307 = arith.constant dense<2147483647> : vector<1024xi32>
      %reduce_min3A_308 = vector.multi_reduction <minsi>, %select_n3A_306, %reduce_min3A_307 [0] : vector<256x1024xi32> to vector<1024xi32>
      %broadcast_in_dim3A_309 = vector.shape_cast %reduce_min3A_308 : vector<1024xi32> to vector<1x1024xi32>
      %eq3A_310 = vector.broadcast %broadcast_in_dim3A_309 : vector<1x1024xi32> to vector<256x1024xi32>
      %eq3A_311 = arith.cmpi eq, %iota3A_22, %eq3A_310 : vector<256x1024xi32>
      %jit3A_312 = arith.constant 3.000000e+38 : f32
      %broadcast_in_dim3A_313 = vector.broadcast %jit3A_312 : f32 to vector<256x1024xf32>
      %select_n3A_314 = arith.select %eq3A_311, %broadcast_in_dim3A_313, %get3A_299 : vector<256x1024xi1>, vector<256x1024xf32>
      %swap3A_315 = arith.constant 1024 : index
      %swap3A_316 = arith.constant 0 : index
      %swap3A_317 = vector.load %arg6[%swap3A_315, %swap3A_316] : memref<2048x1024xf32, #tpu.memory_space<vmem>>, vector<256x1024xf32>
      tpu.vector_store %arg6[%swap3A_315, %swap3A_316], %select_n3A_314 {strides = array<i32>} : memref<2048x1024xf32, #tpu.memory_space<vmem>>, vector<256x1024xf32>,
      %add3A_318 = vector.broadcast %add3A_158 : i32 to vector<1x1024xi32>
      %add3A_319 = arith.addi %broadcast_in_dim3A_309, %add3A_318 : vector<1x1024xi32>
      %get3A_320 = arith.constant 0 : index
      %get3A_321 = arith.constant 0 : index
      %get3A_322 = vector.load %arg4[%get3A_320, %get3A_321] : memref<32x1024xf32, #tpu.memory_space<vmem>>, vector<32x1024xf32>
      %get3A_323 = arith.constant 0 : index
      %get3A_324 = arith.constant 0 : index
      %get3A_325 = vector.load %arg5[%get3A_323, %get3A_324] : memref<32x1024xi32, #tpu.memory_space<vmem>>, vector<32x1024xi32>
      %lt3A = vector.broadcast %broadcast_in_dim3A_301 : vector<1x1024xf32> to vector<32x1024xf32>
      %lt3A_326 = arith.cmpf olt, %get3A_322, %lt3A : vector<32x1024xf32>
      %eq3A_327 = vector.broadcast %broadcast_in_dim3A_301 : vector<1x1024xf32> to vector<32x1024xf32>
      %eq3A_328 = arith.cmpf oeq, %get3A_322, %eq3A_327 : vector<32x1024xf32>
      %lt3A_329 = vector.broadcast %add3A_319 : vector<1x1024xi32> to vector<32x1024xi32>
      %lt3A_330 = arith.cmpi slt, %get3A_325, %lt3A_329 : vector<32x1024xi32>
      %and3A = arith.andi %eq3A_328, %lt3A_330 : vector<32x1024xi1>
      %or3A = arith.ori %lt3A_326, %and3A : vector<32x1024xi1>
      %convert_element_type3A_331 = arith.extui %or3A : vector<32x1024xi1> to vector<32x1024xi32>
      %reduce_sum3A_332 = arith.constant dense<0> : vector<1024xi32>
      %reduce_sum3A_333 = vector.multi_reduction <add>, %convert_element_type3A_331, %reduce_sum3A_332 [0] : vector<32x1024xi32> to vector<1024xi32>
      %broadcast_in_dim3A_334 = vector.shape_cast %reduce_sum3A_333 : vector<1024xi32> to vector<1x1024xi32>
      %roll3A = arith.constant 1 : i32
      %roll3A_335 = tpu.dynamic_rotate %get3A_322 by %roll3A dim 0 : vector<32x1024xf32>, i32 -> vector<32x1024xf32>
      %roll3A_336 = arith.constant 1 : i32
      %roll3A_337 = tpu.dynamic_rotate %get3A_325 by %roll3A_336 dim 0 : vector<32x1024xi32>, i32 -> vector<32x1024xi32>
      %lt3A_338 = vector.broadcast %broadcast_in_dim3A_334 : vector<1x1024xi32> to vector<32x1024xi32>
      %lt3A_339 = arith.cmpi slt, %iota3A_21, %lt3A_338 : vector<32x1024xi32>
      %eq3A_340 = vector.broadcast %broadcast_in_dim3A_334 : vector<1x1024xi32> to vector<32x1024xi32>
      %eq3A_341 = arith.cmpi eq, %iota3A_21, %eq3A_340 : vector<32x1024xi32>
      %broadcast_in_dim3A_342 = vector.shape_cast %broadcast_in_dim3A_301 : vector<1x1024xf32> to vector<1x1024xf32>
      %broadcast_in_dim3A_343 = vector.broadcast %broadcast_in_dim3A_342 : vector<1x1024xf32> to vector<32x1024xf32>
      %select_n3A_344 = arith.select %eq3A_341, %broadcast_in_dim3A_343, %roll3A_335 : vector<32x1024xi1>, vector<32x1024xf32>
      %select_n3A_345 = arith.select %lt3A_339, %get3A_322, %select_n3A_344 : vector<32x1024xi1>, vector<32x1024xf32>
      %swap3A_346 = arith.constant 0 : index
      %swap3A_347 = arith.constant 0 : index
      %swap3A_348 = vector.load %arg4[%swap3A_346, %swap3A_347] : memref<32x1024xf32, #tpu.memory_space<vmem>>, vector<32x1024xf32>
      tpu.vector_store %arg4[%swap3A_346, %swap3A_347], %select_n3A_345 {strides = array<i32>} : memref<32x1024xf32, #tpu.memory_space<vmem>>, vector<32x1024xf32>,
      %lt3A_349 = vector.broadcast %broadcast_in_dim3A_334 : vector<1x1024xi32> to vector<32x1024xi32>
      %lt3A_350 = arith.cmpi slt, %iota3A_21, %lt3A_349 : vector<32x1024xi32>
      %eq3A_351 = vector.broadcast %broadcast_in_dim3A_334 : vector<1x1024xi32> to vector<32x1024xi32>
      %eq3A_352 = arith.cmpi eq, %iota3A_21, %eq3A_351 : vector<32x1024xi32>
      %broadcast_in_dim3A_353 = vector.shape_cast %add3A_319 : vector<1x1024xi32> to vector<1x1024xi32>
      %broadcast_in_dim3A_354 = vector.broadcast %broadcast_in_dim3A_353 : vector<1x1024xi32> to vector<32x1024xi32>
      %select_n3A_355 = arith.select %eq3A_352, %broadcast_in_dim3A_354, %roll3A_337 : vector<32x1024xi1>, vector<32x1024xi32>
      %select_n3A_356 = arith.select %lt3A_350, %get3A_325, %select_n3A_355 : vector<32x1024xi1>, vector<32x1024xi32>
      %swap3A_357 = arith.constant 0 : index
      %swap3A_358 = arith.constant 0 : index
      %swap3A_359 = vector.load %arg5[%swap3A_357, %swap3A_358] : memref<32x1024xi32, #tpu.memory_space<vmem>>, vector<32x1024xi32>
      tpu.vector_store %arg5[%swap3A_357, %swap3A_358], %select_n3A_356 {strides = array<i32>} : memref<32x1024xi32, #tpu.memory_space<vmem>>, vector<32x1024xi32>,
    }
    %while3A_188 = arith.constant 1 : i32
    scf.for %while3A_296 = %while3A_186 to %while3A_182 step %while3A_188  : i32 {
      %get3A_297 = arith.constant 1024 : index
      %get3A_298 = arith.constant 0 : index
      %get3A_299 = vector.load %arg6[%get3A_297, %get3A_298] : memref<2048x1024xf32, #tpu.memory_space<vmem>>, vector<256x1024xf32>
      %reduce_min3A = arith.constant dense<0x7F800000> : vector<1024xf32>
      %reduce_min3A_300 = vector.multi_reduction <minimumf>, %get3A_299, %reduce_min3A [0] : vector<256x1024xf32> to vector<1024xf32>
      %broadcast_in_dim3A_301 = vector.shape_cast %reduce_min3A_300 : vector<1024xf32> to vector<1x1024xf32>
      %eq3A_302 = vector.broadcast %broadcast_in_dim3A_301 : vector<1x1024xf32> to vector<256x1024xf32>
      %eq3A_303 = arith.cmpf oeq, %get3A_299, %eq3A_302 : vector<256x1024xf32>
      %jit3A_304 = arith.constant 2147483647 : i32
      %broadcast_in_dim3A_305 = vector.broadcast %jit3A_304 : i32 to vector<256x1024xi32>
      %select_n3A_306 = arith.select %eq3A_303, %iota3A_22, %broadcast_in_dim3A_305 : vector<256x1024xi1>, vector<256x1024xi32>
      %reduce_min3A_307 = arith.constant dense<2147483647> : vector<1024xi32>
      %reduce_min3A_308 = vector.multi_reduction <minsi>, %select_n3A_306, %reduce_min3A_307 [0] : vector<256x1024xi32> to vector<1024xi32>
      %broadcast_in_dim3A_309 = vector.shape_cast %reduce_min3A_308 : vector<1024xi32> to vector<1x1024xi32>
      %eq3A_310 = vector.broadcast %broadcast_in_dim3A_309 : vector<1x1024xi32> to vector<256x1024xi32>
      %eq3A_311 = arith.cmpi eq, %iota3A_22, %eq3A_310 : vector<256x1024xi32>
      %jit3A_312 = arith.constant 3.000000e+38 : f32
      %broadcast_in_dim3A_313 = vector.broadcast %jit3A_312 : f32 to vector<256x1024xf32>
      %select_n3A_314 = arith.select %eq3A_311, %broadcast_in_dim3A_313, %get3A_299 : vector<256x1024xi1>, vector<256x1024xf32>
      %swap3A_315 = arith.constant 1024 : index
      %swap3A_316 = arith.constant 0 : index
      %swap3A_317 = vector.load %arg6[%swap3A_315, %swap3A_316] : memref<2048x1024xf32, #tpu.memory_space<vmem>>, vector<256x1024xf32>
      tpu.vector_store %arg6[%swap3A_315, %swap3A_316], %select_n3A_314 {strides = array<i32>} : memref<2048x1024xf32, #tpu.memory_space<vmem>>, vector<256x1024xf32>,
      %add3A_318 = vector.broadcast %add3A_158 : i32 to vector<1x1024xi32>
      %add3A_319 = arith.addi %broadcast_in_dim3A_309, %add3A_318 : vector<1x1024xi32>
      %get3A_320 = arith.constant 0 : index
      %get3A_321 = arith.constant 0 : index
      %get3A_322 = vector.load %arg4[%get3A_320, %get3A_321] : memref<32x1024xf32, #tpu.memory_space<vmem>>, vector<32x1024xf32>
      %get3A_323 = arith.constant 0 : index
      %get3A_324 = arith.constant 0 : index
      %get3A_325 = vector.load %arg5[%get3A_323, %get3A_324] : memref<32x1024xi32, #tpu.memory_space<vmem>>, vector<32x1024xi32>
      %lt3A = vector.broadcast %broadcast_in_dim3A_301 : vector<1x1024xf32> to vector<32x1024xf32>
      %lt3A_326 = arith.cmpf olt, %get3A_322, %lt3A : vector<32x1024xf32>
      %eq3A_327 = vector.broadcast %broadcast_in_dim3A_301 : vector<1x1024xf32> to vector<32x1024xf32>
      %eq3A_328 = arith.cmpf oeq, %get3A_322, %eq3A_327 : vector<32x1024xf32>
      %lt3A_329 = vector.broadcast %add3A_319 : vector<1x1024xi32> to vector<32x1024xi32>
      %lt3A_330 = arith.cmpi slt, %get3A_325, %lt3A_329 : vector<32x1024xi32>
      %and3A = arith.andi %eq3A_328, %lt3A_330 : vector<32x1024xi1>
      %or3A = arith.ori %lt3A_326, %and3A : vector<32x1024xi1>
      %convert_element_type3A_331 = arith.extui %or3A : vector<32x1024xi1> to vector<32x1024xi32>
      %reduce_sum3A_332 = arith.constant dense<0> : vector<1024xi32>
      %reduce_sum3A_333 = vector.multi_reduction <add>, %convert_element_type3A_331, %reduce_sum3A_332 [0] : vector<32x1024xi32> to vector<1024xi32>
      %broadcast_in_dim3A_334 = vector.shape_cast %reduce_sum3A_333 : vector<1024xi32> to vector<1x1024xi32>
      %roll3A = arith.constant 1 : i32
      %roll3A_335 = tpu.dynamic_rotate %get3A_322 by %roll3A dim 0 : vector<32x1024xf32>, i32 -> vector<32x1024xf32>
      %roll3A_336 = arith.constant 1 : i32
      %roll3A_337 = tpu.dynamic_rotate %get3A_325 by %roll3A_336 dim 0 : vector<32x1024xi32>, i32 -> vector<32x1024xi32>
      %lt3A_338 = vector.broadcast %broadcast_in_dim3A_334 : vector<1x1024xi32> to vector<32x1024xi32>
      %lt3A_339 = arith.cmpi slt, %iota3A_21, %lt3A_338 : vector<32x1024xi32>
      %eq3A_340 = vector.broadcast %broadcast_in_dim3A_334 : vector<1x1024xi32> to vector<32x1024xi32>
      %eq3A_341 = arith.cmpi eq, %iota3A_21, %eq3A_340 : vector<32x1024xi32>
      %broadcast_in_dim3A_342 = vector.shape_cast %broadcast_in_dim3A_301 : vector<1x1024xf32> to vector<1x1024xf32>
      %broadcast_in_dim3A_343 = vector.broadcast %broadcast_in_dim3A_342 : vector<1x1024xf32> to vector<32x1024xf32>
      %select_n3A_344 = arith.select %eq3A_341, %broadcast_in_dim3A_343, %roll3A_335 : vector<32x1024xi1>, vector<32x1024xf32>
      %select_n3A_345 = arith.select %lt3A_339, %get3A_322, %select_n3A_344 : vector<32x1024xi1>, vector<32x1024xf32>
      %swap3A_346 = arith.constant 0 : index
      %swap3A_347 = arith.constant 0 : index
      %swap3A_348 = vector.load %arg4[%swap3A_346, %swap3A_347] : memref<32x1024xf32, #tpu.memory_space<vmem>>, vector<32x1024xf32>
      tpu.vector_store %arg4[%swap3A_346, %swap3A_347], %select_n3A_345 {strides = array<i32>} : memref<32x1024xf32, #tpu.memory_space<vmem>>, vector<32x1024xf32>,
      %lt3A_349 = vector.broadcast %broadcast_in_dim3A_334 : vector<1x1024xi32> to vector<32x1024xi32>
      %lt3A_350 = arith.cmpi slt, %iota3A_21, %lt3A_349 : vector<32x1024xi32>
      %eq3A_351 = vector.broadcast %broadcast_in_dim3A_334 : vector<1x1024xi32> to vector<32x1024xi32>
      %eq3A_352 = arith.cmpi eq, %iota3A_21, %eq3A_351 : vector<32x1024xi32>
      %broadcast_in_dim3A_353 = vector.shape_cast %add3A_319 : vector<1x1024xi32> to vector<1x1024xi32>
      %broadcast_in_dim3A_354 = vector.broadcast %broadcast_in_dim3A_353 : vector<1x1024xi32> to vector<32x1024xi32>
      %select_n3A_355 = arith.select %eq3A_352, %broadcast_in_dim3A_354, %roll3A_337 : vector<32x1024xi1>, vector<32x1024xi32>
      %select_n3A_356 = arith.select %lt3A_350, %get3A_325, %select_n3A_355 : vector<32x1024xi1>, vector<32x1024xi32>
      %swap3A_357 = arith.constant 0 : index
      %swap3A_358 = arith.constant 0 : index
      %swap3A_359 = vector.load %arg5[%swap3A_357, %swap3A_358] : memref<32x1024xi32, #tpu.memory_space<vmem>>, vector<32x1024xi32>
      tpu.vector_store %arg5[%swap3A_357, %swap3A_358], %select_n3A_356 {strides = array<i32>} : memref<32x1024xi32, #tpu.memory_space<vmem>>, vector<32x1024xi32>,
    }
    %mul3A_189 = arith.constant 2048 : i32
    %mul3A_190 = arith.muli %arg0, %mul3A_189 : i32
    %add3A_191 = arith.constant 1280 : i32
    %add3A_192 = arith.addi %add3A_191, %mul3A_190 : i32
    %get3A_193 = arith.constant 31 : index
    %get3A_194 = arith.constant 0 : index
    %get3A_195 = vector.load %arg4[%get3A_193, %get3A_194] : memref<32x1024xf32, #tpu.memory_space<vmem>>, vector<1x1024xf32>
    %get3A_196 = arith.constant 1280 : index
    %get3A_197 = arith.constant 0 : index
    %get3A_198 = vector.load %arg6[%get3A_196, %get3A_197] : memref<2048x1024xf32, #tpu.memory_space<vmem>>, vector<256x1024xf32>
    %le3A_199 = vector.broadcast %get3A_195 : vector<1x1024xf32> to vector<256x1024xf32>
    %le3A_200 = arith.cmpf ole, %get3A_198, %le3A_199 : vector<256x1024xf32>
    %convert_element_type3A_201 = arith.extui %le3A_200 : vector<256x1024xi1> to vector<256x1024xi32>
    %reduce_sum3A_202 = arith.constant dense<0> : vector<1024xi32>
    %reduce_sum3A_203 = vector.multi_reduction <add>, %convert_element_type3A_201, %reduce_sum3A_202 [0] : vector<256x1024xi32> to vector<1024xi32>
    %broadcast_in_dim3A_204 = vector.shape_cast %reduce_sum3A_203 : vector<1024xi32> to vector<1x1024xi32>
    %min3A_205 = arith.constant 32 : i32
    %min3A_206 = vector.broadcast %min3A_205 : i32 to vector<1x1024xi32>
    %min3A_207 = arith.minsi %broadcast_in_dim3A_204, %min3A_206 : vector<1x1024xi32>
    %reduce_max3A_208 = vector.shape_cast %min3A_207 : vector<1x1024xi32> to vector<1x1x1024xi32>
    %reduce_max3A_209 = arith.constant dense<-2147483648> : vector<1xi32>
    %reduce_max3A_210 = vector.multi_reduction <maxsi>, %reduce_max3A_208, %reduce_max3A_209 [1, 2] : vector<1x1x1024xi32> to vector<1xi32>
    %reduce_max3A_211 = vector.shape_cast %reduce_max3A_210 : vector<1xi32> to vector<1x1x1xi32>
    %reduce_max3A_212 = vector.extract %reduce_max3A_211[0, 0, 0] : i32 from vector<1x1x1xi32>
    %while3A_213 = arith.constant 0 : i32
    %while3A_214 = arith.constant 0 : i32
    %while3A_215 = arith.subi %reduce_max3A_212, %while3A_214 : i32
    %while3A_216 = arith.addi %while3A_214, %while3A_215 : i32
    %while3A_217 = arith.constant 1 : i32
    %while3A_218 = arith.divsi %while3A_215, %while3A_217 : i32
    %while3A_219 = arith.muli %while3A_218, %while3A_217 : i32
    %while3A_220 = arith.addi %while3A_214, %while3A_219 : i32
    %while3A_221 = arith.constant 1 : i32
    scf.for %while3A_296 = %while3A_214 to %while3A_220 step %while3A_221  : i32 {
      %get3A_297 = arith.constant 1280 : index
      %get3A_298 = arith.constant 0 : index
      %get3A_299 = vector.load %arg6[%get3A_297, %get3A_298] : memref<2048x1024xf32, #tpu.memory_space<vmem>>, vector<256x1024xf32>
      %reduce_min3A = arith.constant dense<0x7F800000> : vector<1024xf32>
      %reduce_min3A_300 = vector.multi_reduction <minimumf>, %get3A_299, %reduce_min3A [0] : vector<256x1024xf32> to vector<1024xf32>
      %broadcast_in_dim3A_301 = vector.shape_cast %reduce_min3A_300 : vector<1024xf32> to vector<1x1024xf32>
      %eq3A_302 = vector.broadcast %broadcast_in_dim3A_301 : vector<1x1024xf32> to vector<256x1024xf32>
      %eq3A_303 = arith.cmpf oeq, %get3A_299, %eq3A_302 : vector<256x1024xf32>
      %jit3A_304 = arith.constant 2147483647 : i32
      %broadcast_in_dim3A_305 = vector.broadcast %jit3A_304 : i32 to vector<256x1024xi32>
      %select_n3A_306 = arith.select %eq3A_303, %iota3A_22, %broadcast_in_dim3A_305 : vector<256x1024xi1>, vector<256x1024xi32>
      %reduce_min3A_307 = arith.constant dense<2147483647> : vector<1024xi32>
      %reduce_min3A_308 = vector.multi_reduction <minsi>, %select_n3A_306, %reduce_min3A_307 [0] : vector<256x1024xi32> to vector<1024xi32>
      %broadcast_in_dim3A_309 = vector.shape_cast %reduce_min3A_308 : vector<1024xi32> to vector<1x1024xi32>
      %eq3A_310 = vector.broadcast %broadcast_in_dim3A_309 : vector<1x1024xi32> to vector<256x1024xi32>
      %eq3A_311 = arith.cmpi eq, %iota3A_22, %eq3A_310 : vector<256x1024xi32>
      %jit3A_312 = arith.constant 3.000000e+38 : f32
      %broadcast_in_dim3A_313 = vector.broadcast %jit3A_312 : f32 to vector<256x1024xf32>
      %select_n3A_314 = arith.select %eq3A_311, %broadcast_in_dim3A_313, %get3A_299 : vector<256x1024xi1>, vector<256x1024xf32>
      %swap3A_315 = arith.constant 1280 : index
      %swap3A_316 = arith.constant 0 : index
      %swap3A_317 = vector.load %arg6[%swap3A_315, %swap3A_316] : memref<2048x1024xf32, #tpu.memory_space<vmem>>, vector<256x1024xf32>
      tpu.vector_store %arg6[%swap3A_315, %swap3A_316], %select_n3A_314 {strides = array<i32>} : memref<2048x1024xf32, #tpu.memory_space<vmem>>, vector<256x1024xf32>,
      %add3A_318 = vector.broadcast %add3A_192 : i32 to vector<1x1024xi32>
      %add3A_319 = arith.addi %broadcast_in_dim3A_309, %add3A_318 : vector<1x1024xi32>
      %get3A_320 = arith.constant 0 : index
      %get3A_321 = arith.constant 0 : index
      %get3A_322 = vector.load %arg4[%get3A_320, %get3A_321] : memref<32x1024xf32, #tpu.memory_space<vmem>>, vector<32x1024xf32>
      %get3A_323 = arith.constant 0 : index
      %get3A_324 = arith.constant 0 : index
      %get3A_325 = vector.load %arg5[%get3A_323, %get3A_324] : memref<32x1024xi32, #tpu.memory_space<vmem>>, vector<32x1024xi32>
      %lt3A = vector.broadcast %broadcast_in_dim3A_301 : vector<1x1024xf32> to vector<32x1024xf32>
      %lt3A_326 = arith.cmpf olt, %get3A_322, %lt3A : vector<32x1024xf32>
      %eq3A_327 = vector.broadcast %broadcast_in_dim3A_301 : vector<1x1024xf32> to vector<32x1024xf32>
      %eq3A_328 = arith.cmpf oeq, %get3A_322, %eq3A_327 : vector<32x1024xf32>
      %lt3A_329 = vector.broadcast %add3A_319 : vector<1x1024xi32> to vector<32x1024xi32>
      %lt3A_330 = arith.cmpi slt, %get3A_325, %lt3A_329 : vector<32x1024xi32>
      %and3A = arith.andi %eq3A_328, %lt3A_330 : vector<32x1024xi1>
      %or3A = arith.ori %lt3A_326, %and3A : vector<32x1024xi1>
      %convert_element_type3A_331 = arith.extui %or3A : vector<32x1024xi1> to vector<32x1024xi32>
      %reduce_sum3A_332 = arith.constant dense<0> : vector<1024xi32>
      %reduce_sum3A_333 = vector.multi_reduction <add>, %convert_element_type3A_331, %reduce_sum3A_332 [0] : vector<32x1024xi32> to vector<1024xi32>
      %broadcast_in_dim3A_334 = vector.shape_cast %reduce_sum3A_333 : vector<1024xi32> to vector<1x1024xi32>
      %roll3A = arith.constant 1 : i32
      %roll3A_335 = tpu.dynamic_rotate %get3A_322 by %roll3A dim 0 : vector<32x1024xf32>, i32 -> vector<32x1024xf32>
      %roll3A_336 = arith.constant 1 : i32
      %roll3A_337 = tpu.dynamic_rotate %get3A_325 by %roll3A_336 dim 0 : vector<32x1024xi32>, i32 -> vector<32x1024xi32>
      %lt3A_338 = vector.broadcast %broadcast_in_dim3A_334 : vector<1x1024xi32> to vector<32x1024xi32>
      %lt3A_339 = arith.cmpi slt, %iota3A_21, %lt3A_338 : vector<32x1024xi32>
      %eq3A_340 = vector.broadcast %broadcast_in_dim3A_334 : vector<1x1024xi32> to vector<32x1024xi32>
      %eq3A_341 = arith.cmpi eq, %iota3A_21, %eq3A_340 : vector<32x1024xi32>
      %broadcast_in_dim3A_342 = vector.shape_cast %broadcast_in_dim3A_301 : vector<1x1024xf32> to vector<1x1024xf32>
      %broadcast_in_dim3A_343 = vector.broadcast %broadcast_in_dim3A_342 : vector<1x1024xf32> to vector<32x1024xf32>
      %select_n3A_344 = arith.select %eq3A_341, %broadcast_in_dim3A_343, %roll3A_335 : vector<32x1024xi1>, vector<32x1024xf32>
      %select_n3A_345 = arith.select %lt3A_339, %get3A_322, %select_n3A_344 : vector<32x1024xi1>, vector<32x1024xf32>
      %swap3A_346 = arith.constant 0 : index
      %swap3A_347 = arith.constant 0 : index
      %swap3A_348 = vector.load %arg4[%swap3A_346, %swap3A_347] : memref<32x1024xf32, #tpu.memory_space<vmem>>, vector<32x1024xf32>
      tpu.vector_store %arg4[%swap3A_346, %swap3A_347], %select_n3A_345 {strides = array<i32>} : memref<32x1024xf32, #tpu.memory_space<vmem>>, vector<32x1024xf32>,
      %lt3A_349 = vector.broadcast %broadcast_in_dim3A_334 : vector<1x1024xi32> to vector<32x1024xi32>
      %lt3A_350 = arith.cmpi slt, %iota3A_21, %lt3A_349 : vector<32x1024xi32>
      %eq3A_351 = vector.broadcast %broadcast_in_dim3A_334 : vector<1x1024xi32> to vector<32x1024xi32>
      %eq3A_352 = arith.cmpi eq, %iota3A_21, %eq3A_351 : vector<32x1024xi32>
      %broadcast_in_dim3A_353 = vector.shape_cast %add3A_319 : vector<1x1024xi32> to vector<1x1024xi32>
      %broadcast_in_dim3A_354 = vector.broadcast %broadcast_in_dim3A_353 : vector<1x1024xi32> to vector<32x1024xi32>
      %select_n3A_355 = arith.select %eq3A_352, %broadcast_in_dim3A_354, %roll3A_337 : vector<32x1024xi1>, vector<32x1024xi32>
      %select_n3A_356 = arith.select %lt3A_350, %get3A_325, %select_n3A_355 : vector<32x1024xi1>, vector<32x1024xi32>
      %swap3A_357 = arith.constant 0 : index
      %swap3A_358 = arith.constant 0 : index
      %swap3A_359 = vector.load %arg5[%swap3A_357, %swap3A_358] : memref<32x1024xi32, #tpu.memory_space<vmem>>, vector<32x1024xi32>
      tpu.vector_store %arg5[%swap3A_357, %swap3A_358], %select_n3A_356 {strides = array<i32>} : memref<32x1024xi32, #tpu.memory_space<vmem>>, vector<32x1024xi32>,
    }
    %while3A_222 = arith.constant 1 : i32
    scf.for %while3A_296 = %while3A_220 to %while3A_216 step %while3A_222  : i32 {
      %get3A_297 = arith.constant 1280 : index
      %get3A_298 = arith.constant 0 : index
      %get3A_299 = vector.load %arg6[%get3A_297, %get3A_298] : memref<2048x1024xf32, #tpu.memory_space<vmem>>, vector<256x1024xf32>
      %reduce_min3A = arith.constant dense<0x7F800000> : vector<1024xf32>
      %reduce_min3A_300 = vector.multi_reduction <minimumf>, %get3A_299, %reduce_min3A [0] : vector<256x1024xf32> to vector<1024xf32>
      %broadcast_in_dim3A_301 = vector.shape_cast %reduce_min3A_300 : vector<1024xf32> to vector<1x1024xf32>
      %eq3A_302 = vector.broadcast %broadcast_in_dim3A_301 : vector<1x1024xf32> to vector<256x1024xf32>
      %eq3A_303 = arith.cmpf oeq, %get3A_299, %eq3A_302 : vector<256x1024xf32>
      %jit3A_304 = arith.constant 2147483647 : i32
      %broadcast_in_dim3A_305 = vector.broadcast %jit3A_304 : i32 to vector<256x1024xi32>
      %select_n3A_306 = arith.select %eq3A_303, %iota3A_22, %broadcast_in_dim3A_305 : vector<256x1024xi1>, vector<256x1024xi32>
      %reduce_min3A_307 = arith.constant dense<2147483647> : vector<1024xi32>
      %reduce_min3A_308 = vector.multi_reduction <minsi>, %select_n3A_306, %reduce_min3A_307 [0] : vector<256x1024xi32> to vector<1024xi32>
      %broadcast_in_dim3A_309 = vector.shape_cast %reduce_min3A_308 : vector<1024xi32> to vector<1x1024xi32>
      %eq3A_310 = vector.broadcast %broadcast_in_dim3A_309 : vector<1x1024xi32> to vector<256x1024xi32>
      %eq3A_311 = arith.cmpi eq, %iota3A_22, %eq3A_310 : vector<256x1024xi32>
      %jit3A_312 = arith.constant 3.000000e+38 : f32
      %broadcast_in_dim3A_313 = vector.broadcast %jit3A_312 : f32 to vector<256x1024xf32>
      %select_n3A_314 = arith.select %eq3A_311, %broadcast_in_dim3A_313, %get3A_299 : vector<256x1024xi1>, vector<256x1024xf32>
      %swap3A_315 = arith.constant 1280 : index
      %swap3A_316 = arith.constant 0 : index
      %swap3A_317 = vector.load %arg6[%swap3A_315, %swap3A_316] : memref<2048x1024xf32, #tpu.memory_space<vmem>>, vector<256x1024xf32>
      tpu.vector_store %arg6[%swap3A_315, %swap3A_316], %select_n3A_314 {strides = array<i32>} : memref<2048x1024xf32, #tpu.memory_space<vmem>>, vector<256x1024xf32>,
      %add3A_318 = vector.broadcast %add3A_192 : i32 to vector<1x1024xi32>
      %add3A_319 = arith.addi %broadcast_in_dim3A_309, %add3A_318 : vector<1x1024xi32>
      %get3A_320 = arith.constant 0 : index
      %get3A_321 = arith.constant 0 : index
      %get3A_322 = vector.load %arg4[%get3A_320, %get3A_321] : memref<32x1024xf32, #tpu.memory_space<vmem>>, vector<32x1024xf32>
      %get3A_323 = arith.constant 0 : index
      %get3A_324 = arith.constant 0 : index
      %get3A_325 = vector.load %arg5[%get3A_323, %get3A_324] : memref<32x1024xi32, #tpu.memory_space<vmem>>, vector<32x1024xi32>
      %lt3A = vector.broadcast %broadcast_in_dim3A_301 : vector<1x1024xf32> to vector<32x1024xf32>
      %lt3A_326 = arith.cmpf olt, %get3A_322, %lt3A : vector<32x1024xf32>
      %eq3A_327 = vector.broadcast %broadcast_in_dim3A_301 : vector<1x1024xf32> to vector<32x1024xf32>
      %eq3A_328 = arith.cmpf oeq, %get3A_322, %eq3A_327 : vector<32x1024xf32>
      %lt3A_329 = vector.broadcast %add3A_319 : vector<1x1024xi32> to vector<32x1024xi32>
      %lt3A_330 = arith.cmpi slt, %get3A_325, %lt3A_329 : vector<32x1024xi32>
      %and3A = arith.andi %eq3A_328, %lt3A_330 : vector<32x1024xi1>
      %or3A = arith.ori %lt3A_326, %and3A : vector<32x1024xi1>
      %convert_element_type3A_331 = arith.extui %or3A : vector<32x1024xi1> to vector<32x1024xi32>
      %reduce_sum3A_332 = arith.constant dense<0> : vector<1024xi32>
      %reduce_sum3A_333 = vector.multi_reduction <add>, %convert_element_type3A_331, %reduce_sum3A_332 [0] : vector<32x1024xi32> to vector<1024xi32>
      %broadcast_in_dim3A_334 = vector.shape_cast %reduce_sum3A_333 : vector<1024xi32> to vector<1x1024xi32>
      %roll3A = arith.constant 1 : i32
      %roll3A_335 = tpu.dynamic_rotate %get3A_322 by %roll3A dim 0 : vector<32x1024xf32>, i32 -> vector<32x1024xf32>
      %roll3A_336 = arith.constant 1 : i32
      %roll3A_337 = tpu.dynamic_rotate %get3A_325 by %roll3A_336 dim 0 : vector<32x1024xi32>, i32 -> vector<32x1024xi32>
      %lt3A_338 = vector.broadcast %broadcast_in_dim3A_334 : vector<1x1024xi32> to vector<32x1024xi32>
      %lt3A_339 = arith.cmpi slt, %iota3A_21, %lt3A_338 : vector<32x1024xi32>
      %eq3A_340 = vector.broadcast %broadcast_in_dim3A_334 : vector<1x1024xi32> to vector<32x1024xi32>
      %eq3A_341 = arith.cmpi eq, %iota3A_21, %eq3A_340 : vector<32x1024xi32>
      %broadcast_in_dim3A_342 = vector.shape_cast %broadcast_in_dim3A_301 : vector<1x1024xf32> to vector<1x1024xf32>
      %broadcast_in_dim3A_343 = vector.broadcast %broadcast_in_dim3A_342 : vector<1x1024xf32> to vector<32x1024xf32>
      %select_n3A_344 = arith.select %eq3A_341, %broadcast_in_dim3A_343, %roll3A_335 : vector<32x1024xi1>, vector<32x1024xf32>
      %select_n3A_345 = arith.select %lt3A_339, %get3A_322, %select_n3A_344 : vector<32x1024xi1>, vector<32x1024xf32>
      %swap3A_346 = arith.constant 0 : index
      %swap3A_347 = arith.constant 0 : index
      %swap3A_348 = vector.load %arg4[%swap3A_346, %swap3A_347] : memref<32x1024xf32, #tpu.memory_space<vmem>>, vector<32x1024xf32>
      tpu.vector_store %arg4[%swap3A_346, %swap3A_347], %select_n3A_345 {strides = array<i32>} : memref<32x1024xf32, #tpu.memory_space<vmem>>, vector<32x1024xf32>,
      %lt3A_349 = vector.broadcast %broadcast_in_dim3A_334 : vector<1x1024xi32> to vector<32x1024xi32>
      %lt3A_350 = arith.cmpi slt, %iota3A_21, %lt3A_349 : vector<32x1024xi32>
      %eq3A_351 = vector.broadcast %broadcast_in_dim3A_334 : vector<1x1024xi32> to vector<32x1024xi32>
      %eq3A_352 = arith.cmpi eq, %iota3A_21, %eq3A_351 : vector<32x1024xi32>
      %broadcast_in_dim3A_353 = vector.shape_cast %add3A_319 : vector<1x1024xi32> to vector<1x1024xi32>
      %broadcast_in_dim3A_354 = vector.broadcast %broadcast_in_dim3A_353 : vector<1x1024xi32> to vector<32x1024xi32>
      %select_n3A_355 = arith.select %eq3A_352, %broadcast_in_dim3A_354, %roll3A_337 : vector<32x1024xi1>, vector<32x1024xi32>
      %select_n3A_356 = arith.select %lt3A_350, %get3A_325, %select_n3A_355 : vector<32x1024xi1>, vector<32x1024xi32>
      %swap3A_357 = arith.constant 0 : index
      %swap3A_358 = arith.constant 0 : index
      %swap3A_359 = vector.load %arg5[%swap3A_357, %swap3A_358] : memref<32x1024xi32, #tpu.memory_space<vmem>>, vector<32x1024xi32>
      tpu.vector_store %arg5[%swap3A_357, %swap3A_358], %select_n3A_356 {strides = array<i32>} : memref<32x1024xi32, #tpu.memory_space<vmem>>, vector<32x1024xi32>,
    }
    %mul3A_223 = arith.constant 2048 : i32
    %mul3A_224 = arith.muli %arg0, %mul3A_223 : i32
    %add3A_225 = arith.constant 1536 : i32
    %add3A_226 = arith.addi %add3A_225, %mul3A_224 : i32
    %get3A_227 = arith.constant 31 : index
    %get3A_228 = arith.constant 0 : index
    %get3A_229 = vector.load %arg4[%get3A_227, %get3A_228] : memref<32x1024xf32, #tpu.memory_space<vmem>>, vector<1x1024xf32>
    %get3A_230 = arith.constant 1536 : index
    %get3A_231 = arith.constant 0 : index
    %get3A_232 = vector.load %arg6[%get3A_230, %get3A_231] : memref<2048x1024xf32, #tpu.memory_space<vmem>>, vector<256x1024xf32>
    %le3A_233 = vector.broadcast %get3A_229 : vector<1x1024xf32> to vector<256x1024xf32>
    %le3A_234 = arith.cmpf ole, %get3A_232, %le3A_233 : vector<256x1024xf32>
    %convert_element_type3A_235 = arith.extui %le3A_234 : vector<256x1024xi1> to vector<256x1024xi32>
    %reduce_sum3A_236 = arith.constant dense<0> : vector<1024xi32>
    %reduce_sum3A_237 = vector.multi_reduction <add>, %convert_element_type3A_235, %reduce_sum3A_236 [0] : vector<256x1024xi32> to vector<1024xi32>
    %broadcast_in_dim3A_238 = vector.shape_cast %reduce_sum3A_237 : vector<1024xi32> to vector<1x1024xi32>
    %min3A_239 = arith.constant 32 : i32
    %min3A_240 = vector.broadcast %min3A_239 : i32 to vector<1x1024xi32>
    %min3A_241 = arith.minsi %broadcast_in_dim3A_238, %min3A_240 : vector<1x1024xi32>
    %reduce_max3A_242 = vector.shape_cast %min3A_241 : vector<1x1024xi32> to vector<1x1x1024xi32>
    %reduce_max3A_243 = arith.constant dense<-2147483648> : vector<1xi32>
    %reduce_max3A_244 = vector.multi_reduction <maxsi>, %reduce_max3A_242, %reduce_max3A_243 [1, 2] : vector<1x1x1024xi32> to vector<1xi32>
    %reduce_max3A_245 = vector.shape_cast %reduce_max3A_244 : vector<1xi32> to vector<1x1x1xi32>
    %reduce_max3A_246 = vector.extract %reduce_max3A_245[0, 0, 0] : i32 from vector<1x1x1xi32>
    %while3A_247 = arith.constant 0 : i32
    %while3A_248 = arith.constant 0 : i32
    %while3A_249 = arith.subi %reduce_max3A_246, %while3A_248 : i32
    %while3A_250 = arith.addi %while3A_248, %while3A_249 : i32
    %while3A_251 = arith.constant 1 : i32
    %while3A_252 = arith.divsi %while3A_249, %while3A_251 : i32
    %while3A_253 = arith.muli %while3A_252, %while3A_251 : i32
    %while3A_254 = arith.addi %while3A_248, %while3A_253 : i32
    %while3A_255 = arith.constant 1 : i32
    scf.for %while3A_296 = %while3A_248 to %while3A_254 step %while3A_255  : i32 {
      %get3A_297 = arith.constant 1536 : index
      %get3A_298 = arith.constant 0 : index
      %get3A_299 = vector.load %arg6[%get3A_297, %get3A_298] : memref<2048x1024xf32, #tpu.memory_space<vmem>>, vector<256x1024xf32>
      %reduce_min3A = arith.constant dense<0x7F800000> : vector<1024xf32>
      %reduce_min3A_300 = vector.multi_reduction <minimumf>, %get3A_299, %reduce_min3A [0] : vector<256x1024xf32> to vector<1024xf32>
      %broadcast_in_dim3A_301 = vector.shape_cast %reduce_min3A_300 : vector<1024xf32> to vector<1x1024xf32>
      %eq3A_302 = vector.broadcast %broadcast_in_dim3A_301 : vector<1x1024xf32> to vector<256x1024xf32>
      %eq3A_303 = arith.cmpf oeq, %get3A_299, %eq3A_302 : vector<256x1024xf32>
      %jit3A_304 = arith.constant 2147483647 : i32
      %broadcast_in_dim3A_305 = vector.broadcast %jit3A_304 : i32 to vector<256x1024xi32>
      %select_n3A_306 = arith.select %eq3A_303, %iota3A_22, %broadcast_in_dim3A_305 : vector<256x1024xi1>, vector<256x1024xi32>
      %reduce_min3A_307 = arith.constant dense<2147483647> : vector<1024xi32>
      %reduce_min3A_308 = vector.multi_reduction <minsi>, %select_n3A_306, %reduce_min3A_307 [0] : vector<256x1024xi32> to vector<1024xi32>
      %broadcast_in_dim3A_309 = vector.shape_cast %reduce_min3A_308 : vector<1024xi32> to vector<1x1024xi32>
      %eq3A_310 = vector.broadcast %broadcast_in_dim3A_309 : vector<1x1024xi32> to vector<256x1024xi32>
      %eq3A_311 = arith.cmpi eq, %iota3A_22, %eq3A_310 : vector<256x1024xi32>
      %jit3A_312 = arith.constant 3.000000e+38 : f32
      %broadcast_in_dim3A_313 = vector.broadcast %jit3A_312 : f32 to vector<256x1024xf32>
      %select_n3A_314 = arith.select %eq3A_311, %broadcast_in_dim3A_313, %get3A_299 : vector<256x1024xi1>, vector<256x1024xf32>
      %swap3A_315 = arith.constant 1536 : index
      %swap3A_316 = arith.constant 0 : index
      %swap3A_317 = vector.load %arg6[%swap3A_315, %swap3A_316] : memref<2048x1024xf32, #tpu.memory_space<vmem>>, vector<256x1024xf32>
      tpu.vector_store %arg6[%swap3A_315, %swap3A_316], %select_n3A_314 {strides = array<i32>} : memref<2048x1024xf32, #tpu.memory_space<vmem>>, vector<256x1024xf32>,
      %add3A_318 = vector.broadcast %add3A_226 : i32 to vector<1x1024xi32>
      %add3A_319 = arith.addi %broadcast_in_dim3A_309, %add3A_318 : vector<1x1024xi32>
      %get3A_320 = arith.constant 0 : index
      %get3A_321 = arith.constant 0 : index
      %get3A_322 = vector.load %arg4[%get3A_320, %get3A_321] : memref<32x1024xf32, #tpu.memory_space<vmem>>, vector<32x1024xf32>
      %get3A_323 = arith.constant 0 : index
      %get3A_324 = arith.constant 0 : index
      %get3A_325 = vector.load %arg5[%get3A_323, %get3A_324] : memref<32x1024xi32, #tpu.memory_space<vmem>>, vector<32x1024xi32>
      %lt3A = vector.broadcast %broadcast_in_dim3A_301 : vector<1x1024xf32> to vector<32x1024xf32>
      %lt3A_326 = arith.cmpf olt, %get3A_322, %lt3A : vector<32x1024xf32>
      %eq3A_327 = vector.broadcast %broadcast_in_dim3A_301 : vector<1x1024xf32> to vector<32x1024xf32>
      %eq3A_328 = arith.cmpf oeq, %get3A_322, %eq3A_327 : vector<32x1024xf32>
      %lt3A_329 = vector.broadcast %add3A_319 : vector<1x1024xi32> to vector<32x1024xi32>
      %lt3A_330 = arith.cmpi slt, %get3A_325, %lt3A_329 : vector<32x1024xi32>
      %and3A = arith.andi %eq3A_328, %lt3A_330 : vector<32x1024xi1>
      %or3A = arith.ori %lt3A_326, %and3A : vector<32x1024xi1>
      %convert_element_type3A_331 = arith.extui %or3A : vector<32x1024xi1> to vector<32x1024xi32>
      %reduce_sum3A_332 = arith.constant dense<0> : vector<1024xi32>
      %reduce_sum3A_333 = vector.multi_reduction <add>, %convert_element_type3A_331, %reduce_sum3A_332 [0] : vector<32x1024xi32> to vector<1024xi32>
      %broadcast_in_dim3A_334 = vector.shape_cast %reduce_sum3A_333 : vector<1024xi32> to vector<1x1024xi32>
      %roll3A = arith.constant 1 : i32
      %roll3A_335 = tpu.dynamic_rotate %get3A_322 by %roll3A dim 0 : vector<32x1024xf32>, i32 -> vector<32x1024xf32>
      %roll3A_336 = arith.constant 1 : i32
      %roll3A_337 = tpu.dynamic_rotate %get3A_325 by %roll3A_336 dim 0 : vector<32x1024xi32>, i32 -> vector<32x1024xi32>
      %lt3A_338 = vector.broadcast %broadcast_in_dim3A_334 : vector<1x1024xi32> to vector<32x1024xi32>
      %lt3A_339 = arith.cmpi slt, %iota3A_21, %lt3A_338 : vector<32x1024xi32>
      %eq3A_340 = vector.broadcast %broadcast_in_dim3A_334 : vector<1x1024xi32> to vector<32x1024xi32>
      %eq3A_341 = arith.cmpi eq, %iota3A_21, %eq3A_340 : vector<32x1024xi32>
      %broadcast_in_dim3A_342 = vector.shape_cast %broadcast_in_dim3A_301 : vector<1x1024xf32> to vector<1x1024xf32>
      %broadcast_in_dim3A_343 = vector.broadcast %broadcast_in_dim3A_342 : vector<1x1024xf32> to vector<32x1024xf32>
      %select_n3A_344 = arith.select %eq3A_341, %broadcast_in_dim3A_343, %roll3A_335 : vector<32x1024xi1>, vector<32x1024xf32>
      %select_n3A_345 = arith.select %lt3A_339, %get3A_322, %select_n3A_344 : vector<32x1024xi1>, vector<32x1024xf32>
      %swap3A_346 = arith.constant 0 : index
      %swap3A_347 = arith.constant 0 : index
      %swap3A_348 = vector.load %arg4[%swap3A_346, %swap3A_347] : memref<32x1024xf32, #tpu.memory_space<vmem>>, vector<32x1024xf32>
      tpu.vector_store %arg4[%swap3A_346, %swap3A_347], %select_n3A_345 {strides = array<i32>} : memref<32x1024xf32, #tpu.memory_space<vmem>>, vector<32x1024xf32>,
      %lt3A_349 = vector.broadcast %broadcast_in_dim3A_334 : vector<1x1024xi32> to vector<32x1024xi32>
      %lt3A_350 = arith.cmpi slt, %iota3A_21, %lt3A_349 : vector<32x1024xi32>
      %eq3A_351 = vector.broadcast %broadcast_in_dim3A_334 : vector<1x1024xi32> to vector<32x1024xi32>
      %eq3A_352 = arith.cmpi eq, %iota3A_21, %eq3A_351 : vector<32x1024xi32>
      %broadcast_in_dim3A_353 = vector.shape_cast %add3A_319 : vector<1x1024xi32> to vector<1x1024xi32>
      %broadcast_in_dim3A_354 = vector.broadcast %broadcast_in_dim3A_353 : vector<1x1024xi32> to vector<32x1024xi32>
      %select_n3A_355 = arith.select %eq3A_352, %broadcast_in_dim3A_354, %roll3A_337 : vector<32x1024xi1>, vector<32x1024xi32>
      %select_n3A_356 = arith.select %lt3A_350, %get3A_325, %select_n3A_355 : vector<32x1024xi1>, vector<32x1024xi32>
      %swap3A_357 = arith.constant 0 : index
      %swap3A_358 = arith.constant 0 : index
      %swap3A_359 = vector.load %arg5[%swap3A_357, %swap3A_358] : memref<32x1024xi32, #tpu.memory_space<vmem>>, vector<32x1024xi32>
      tpu.vector_store %arg5[%swap3A_357, %swap3A_358], %select_n3A_356 {strides = array<i32>} : memref<32x1024xi32, #tpu.memory_space<vmem>>, vector<32x1024xi32>,
    }
    %while3A_256 = arith.constant 1 : i32
    scf.for %while3A_296 = %while3A_254 to %while3A_250 step %while3A_256  : i32 {
      %get3A_297 = arith.constant 1536 : index
      %get3A_298 = arith.constant 0 : index
      %get3A_299 = vector.load %arg6[%get3A_297, %get3A_298] : memref<2048x1024xf32, #tpu.memory_space<vmem>>, vector<256x1024xf32>
      %reduce_min3A = arith.constant dense<0x7F800000> : vector<1024xf32>
      %reduce_min3A_300 = vector.multi_reduction <minimumf>, %get3A_299, %reduce_min3A [0] : vector<256x1024xf32> to vector<1024xf32>
      %broadcast_in_dim3A_301 = vector.shape_cast %reduce_min3A_300 : vector<1024xf32> to vector<1x1024xf32>
      %eq3A_302 = vector.broadcast %broadcast_in_dim3A_301 : vector<1x1024xf32> to vector<256x1024xf32>
      %eq3A_303 = arith.cmpf oeq, %get3A_299, %eq3A_302 : vector<256x1024xf32>
      %jit3A_304 = arith.constant 2147483647 : i32
      %broadcast_in_dim3A_305 = vector.broadcast %jit3A_304 : i32 to vector<256x1024xi32>
      %select_n3A_306 = arith.select %eq3A_303, %iota3A_22, %broadcast_in_dim3A_305 : vector<256x1024xi1>, vector<256x1024xi32>
      %reduce_min3A_307 = arith.constant dense<2147483647> : vector<1024xi32>
      %reduce_min3A_308 = vector.multi_reduction <minsi>, %select_n3A_306, %reduce_min3A_307 [0] : vector<256x1024xi32> to vector<1024xi32>
      %broadcast_in_dim3A_309 = vector.shape_cast %reduce_min3A_308 : vector<1024xi32> to vector<1x1024xi32>
      %eq3A_310 = vector.broadcast %broadcast_in_dim3A_309 : vector<1x1024xi32> to vector<256x1024xi32>
      %eq3A_311 = arith.cmpi eq, %iota3A_22, %eq3A_310 : vector<256x1024xi32>
      %jit3A_312 = arith.constant 3.000000e+38 : f32
      %broadcast_in_dim3A_313 = vector.broadcast %jit3A_312 : f32 to vector<256x1024xf32>
      %select_n3A_314 = arith.select %eq3A_311, %broadcast_in_dim3A_313, %get3A_299 : vector<256x1024xi1>, vector<256x1024xf32>
      %swap3A_315 = arith.constant 1536 : index
      %swap3A_316 = arith.constant 0 : index
      %swap3A_317 = vector.load %arg6[%swap3A_315, %swap3A_316] : memref<2048x1024xf32, #tpu.memory_space<vmem>>, vector<256x1024xf32>
      tpu.vector_store %arg6[%swap3A_315, %swap3A_316], %select_n3A_314 {strides = array<i32>} : memref<2048x1024xf32, #tpu.memory_space<vmem>>, vector<256x1024xf32>,
      %add3A_318 = vector.broadcast %add3A_226 : i32 to vector<1x1024xi32>
      %add3A_319 = arith.addi %broadcast_in_dim3A_309, %add3A_318 : vector<1x1024xi32>
      %get3A_320 = arith.constant 0 : index
      %get3A_321 = arith.constant 0 : index
      %get3A_322 = vector.load %arg4[%get3A_320, %get3A_321] : memref<32x1024xf32, #tpu.memory_space<vmem>>, vector<32x1024xf32>
      %get3A_323 = arith.constant 0 : index
      %get3A_324 = arith.constant 0 : index
      %get3A_325 = vector.load %arg5[%get3A_323, %get3A_324] : memref<32x1024xi32, #tpu.memory_space<vmem>>, vector<32x1024xi32>
      %lt3A = vector.broadcast %broadcast_in_dim3A_301 : vector<1x1024xf32> to vector<32x1024xf32>
      %lt3A_326 = arith.cmpf olt, %get3A_322, %lt3A : vector<32x1024xf32>
      %eq3A_327 = vector.broadcast %broadcast_in_dim3A_301 : vector<1x1024xf32> to vector<32x1024xf32>
      %eq3A_328 = arith.cmpf oeq, %get3A_322, %eq3A_327 : vector<32x1024xf32>
      %lt3A_329 = vector.broadcast %add3A_319 : vector<1x1024xi32> to vector<32x1024xi32>
      %lt3A_330 = arith.cmpi slt, %get3A_325, %lt3A_329 : vector<32x1024xi32>
      %and3A = arith.andi %eq3A_328, %lt3A_330 : vector<32x1024xi1>
      %or3A = arith.ori %lt3A_326, %and3A : vector<32x1024xi1>
      %convert_element_type3A_331 = arith.extui %or3A : vector<32x1024xi1> to vector<32x1024xi32>
      %reduce_sum3A_332 = arith.constant dense<0> : vector<1024xi32>
      %reduce_sum3A_333 = vector.multi_reduction <add>, %convert_element_type3A_331, %reduce_sum3A_332 [0] : vector<32x1024xi32> to vector<1024xi32>
      %broadcast_in_dim3A_334 = vector.shape_cast %reduce_sum3A_333 : vector<1024xi32> to vector<1x1024xi32>
      %roll3A = arith.constant 1 : i32
      %roll3A_335 = tpu.dynamic_rotate %get3A_322 by %roll3A dim 0 : vector<32x1024xf32>, i32 -> vector<32x1024xf32>
      %roll3A_336 = arith.constant 1 : i32
      %roll3A_337 = tpu.dynamic_rotate %get3A_325 by %roll3A_336 dim 0 : vector<32x1024xi32>, i32 -> vector<32x1024xi32>
      %lt3A_338 = vector.broadcast %broadcast_in_dim3A_334 : vector<1x1024xi32> to vector<32x1024xi32>
      %lt3A_339 = arith.cmpi slt, %iota3A_21, %lt3A_338 : vector<32x1024xi32>
      %eq3A_340 = vector.broadcast %broadcast_in_dim3A_334 : vector<1x1024xi32> to vector<32x1024xi32>
      %eq3A_341 = arith.cmpi eq, %iota3A_21, %eq3A_340 : vector<32x1024xi32>
      %broadcast_in_dim3A_342 = vector.shape_cast %broadcast_in_dim3A_301 : vector<1x1024xf32> to vector<1x1024xf32>
      %broadcast_in_dim3A_343 = vector.broadcast %broadcast_in_dim3A_342 : vector<1x1024xf32> to vector<32x1024xf32>
      %select_n3A_344 = arith.select %eq3A_341, %broadcast_in_dim3A_343, %roll3A_335 : vector<32x1024xi1>, vector<32x1024xf32>
      %select_n3A_345 = arith.select %lt3A_339, %get3A_322, %select_n3A_344 : vector<32x1024xi1>, vector<32x1024xf32>
      %swap3A_346 = arith.constant 0 : index
      %swap3A_347 = arith.constant 0 : index
      %swap3A_348 = vector.load %arg4[%swap3A_346, %swap3A_347] : memref<32x1024xf32, #tpu.memory_space<vmem>>, vector<32x1024xf32>
      tpu.vector_store %arg4[%swap3A_346, %swap3A_347], %select_n3A_345 {strides = array<i32>} : memref<32x1024xf32, #tpu.memory_space<vmem>>, vector<32x1024xf32>,
      %lt3A_349 = vector.broadcast %broadcast_in_dim3A_334 : vector<1x1024xi32> to vector<32x1024xi32>
      %lt3A_350 = arith.cmpi slt, %iota3A_21, %lt3A_349 : vector<32x1024xi32>
      %eq3A_351 = vector.broadcast %broadcast_in_dim3A_334 : vector<1x1024xi32> to vector<32x1024xi32>
      %eq3A_352 = arith.cmpi eq, %iota3A_21, %eq3A_351 : vector<32x1024xi32>
      %broadcast_in_dim3A_353 = vector.shape_cast %add3A_319 : vector<1x1024xi32> to vector<1x1024xi32>
      %broadcast_in_dim3A_354 = vector.broadcast %broadcast_in_dim3A_353 : vector<1x1024xi32> to vector<32x1024xi32>
      %select_n3A_355 = arith.select %eq3A_352, %broadcast_in_dim3A_354, %roll3A_337 : vector<32x1024xi1>, vector<32x1024xi32>
      %select_n3A_356 = arith.select %lt3A_350, %get3A_325, %select_n3A_355 : vector<32x1024xi1>, vector<32x1024xi32>
      %swap3A_357 = arith.constant 0 : index
      %swap3A_358 = arith.constant 0 : index
      %swap3A_359 = vector.load %arg5[%swap3A_357, %swap3A_358] : memref<32x1024xi32, #tpu.memory_space<vmem>>, vector<32x1024xi32>
      tpu.vector_store %arg5[%swap3A_357, %swap3A_358], %select_n3A_356 {strides = array<i32>} : memref<32x1024xi32, #tpu.memory_space<vmem>>, vector<32x1024xi32>,
    }
    %mul3A_257 = arith.constant 2048 : i32
    %mul3A_258 = arith.muli %arg0, %mul3A_257 : i32
    %add3A_259 = arith.constant 1792 : i32
    %add3A_260 = arith.addi %add3A_259, %mul3A_258 : i32
    %get3A_261 = arith.constant 31 : index
    %get3A_262 = arith.constant 0 : index
    %get3A_263 = vector.load %arg4[%get3A_261, %get3A_262] : memref<32x1024xf32, #tpu.memory_space<vmem>>, vector<1x1024xf32>
    %get3A_264 = arith.constant 1792 : index
    %get3A_265 = arith.constant 0 : index
    %get3A_266 = vector.load %arg6[%get3A_264, %get3A_265] : memref<2048x1024xf32, #tpu.memory_space<vmem>>, vector<256x1024xf32>
    %le3A_267 = vector.broadcast %get3A_263 : vector<1x1024xf32> to vector<256x1024xf32>
    %le3A_268 = arith.cmpf ole, %get3A_266, %le3A_267 : vector<256x1024xf32>
    %convert_element_type3A_269 = arith.extui %le3A_268 : vector<256x1024xi1> to vector<256x1024xi32>
    %reduce_sum3A_270 = arith.constant dense<0> : vector<1024xi32>
    %reduce_sum3A_271 = vector.multi_reduction <add>, %convert_element_type3A_269, %reduce_sum3A_270 [0] : vector<256x1024xi32> to vector<1024xi32>
    %broadcast_in_dim3A_272 = vector.shape_cast %reduce_sum3A_271 : vector<1024xi32> to vector<1x1024xi32>
    %min3A_273 = arith.constant 32 : i32
    %min3A_274 = vector.broadcast %min3A_273 : i32 to vector<1x1024xi32>
    %min3A_275 = arith.minsi %broadcast_in_dim3A_272, %min3A_274 : vector<1x1024xi32>
    %reduce_max3A_276 = vector.shape_cast %min3A_275 : vector<1x1024xi32> to vector<1x1x1024xi32>
    %reduce_max3A_277 = arith.constant dense<-2147483648> : vector<1xi32>
    %reduce_max3A_278 = vector.multi_reduction <maxsi>, %reduce_max3A_276, %reduce_max3A_277 [1, 2] : vector<1x1x1024xi32> to vector<1xi32>
    %reduce_max3A_279 = vector.shape_cast %reduce_max3A_278 : vector<1xi32> to vector<1x1x1xi32>
    %reduce_max3A_280 = vector.extract %reduce_max3A_279[0, 0, 0] : i32 from vector<1x1x1xi32>
    %while3A_281 = arith.constant 0 : i32
    %while3A_282 = arith.constant 0 : i32
    %while3A_283 = arith.subi %reduce_max3A_280, %while3A_282 : i32
    %while3A_284 = arith.addi %while3A_282, %while3A_283 : i32
    %while3A_285 = arith.constant 1 : i32
    %while3A_286 = arith.divsi %while3A_283, %while3A_285 : i32
    %while3A_287 = arith.muli %while3A_286, %while3A_285 : i32
    %while3A_288 = arith.addi %while3A_282, %while3A_287 : i32
    %while3A_289 = arith.constant 1 : i32
    scf.for %while3A_296 = %while3A_282 to %while3A_288 step %while3A_289  : i32 {
      %get3A_297 = arith.constant 1792 : index
      %get3A_298 = arith.constant 0 : index
      %get3A_299 = vector.load %arg6[%get3A_297, %get3A_298] : memref<2048x1024xf32, #tpu.memory_space<vmem>>, vector<256x1024xf32>
      %reduce_min3A = arith.constant dense<0x7F800000> : vector<1024xf32>
      %reduce_min3A_300 = vector.multi_reduction <minimumf>, %get3A_299, %reduce_min3A [0] : vector<256x1024xf32> to vector<1024xf32>
      %broadcast_in_dim3A_301 = vector.shape_cast %reduce_min3A_300 : vector<1024xf32> to vector<1x1024xf32>
      %eq3A_302 = vector.broadcast %broadcast_in_dim3A_301 : vector<1x1024xf32> to vector<256x1024xf32>
      %eq3A_303 = arith.cmpf oeq, %get3A_299, %eq3A_302 : vector<256x1024xf32>
      %jit3A_304 = arith.constant 2147483647 : i32
      %broadcast_in_dim3A_305 = vector.broadcast %jit3A_304 : i32 to vector<256x1024xi32>
      %select_n3A_306 = arith.select %eq3A_303, %iota3A_22, %broadcast_in_dim3A_305 : vector<256x1024xi1>, vector<256x1024xi32>
      %reduce_min3A_307 = arith.constant dense<2147483647> : vector<1024xi32>
      %reduce_min3A_308 = vector.multi_reduction <minsi>, %select_n3A_306, %reduce_min3A_307 [0] : vector<256x1024xi32> to vector<1024xi32>
      %broadcast_in_dim3A_309 = vector.shape_cast %reduce_min3A_308 : vector<1024xi32> to vector<1x1024xi32>
      %eq3A_310 = vector.broadcast %broadcast_in_dim3A_309 : vector<1x1024xi32> to vector<256x1024xi32>
      %eq3A_311 = arith.cmpi eq, %iota3A_22, %eq3A_310 : vector<256x1024xi32>
      %jit3A_312 = arith.constant 3.000000e+38 : f32
      %broadcast_in_dim3A_313 = vector.broadcast %jit3A_312 : f32 to vector<256x1024xf32>
      %select_n3A_314 = arith.select %eq3A_311, %broadcast_in_dim3A_313, %get3A_299 : vector<256x1024xi1>, vector<256x1024xf32>
      %swap3A_315 = arith.constant 1792 : index
      %swap3A_316 = arith.constant 0 : index
      %swap3A_317 = vector.load %arg6[%swap3A_315, %swap3A_316] : memref<2048x1024xf32, #tpu.memory_space<vmem>>, vector<256x1024xf32>
      tpu.vector_store %arg6[%swap3A_315, %swap3A_316], %select_n3A_314 {strides = array<i32>} : memref<2048x1024xf32, #tpu.memory_space<vmem>>, vector<256x1024xf32>,
      %add3A_318 = vector.broadcast %add3A_260 : i32 to vector<1x1024xi32>
      %add3A_319 = arith.addi %broadcast_in_dim3A_309, %add3A_318 : vector<1x1024xi32>
      %get3A_320 = arith.constant 0 : index
      %get3A_321 = arith.constant 0 : index
      %get3A_322 = vector.load %arg4[%get3A_320, %get3A_321] : memref<32x1024xf32, #tpu.memory_space<vmem>>, vector<32x1024xf32>
      %get3A_323 = arith.constant 0 : index
      %get3A_324 = arith.constant 0 : index
      %get3A_325 = vector.load %arg5[%get3A_323, %get3A_324] : memref<32x1024xi32, #tpu.memory_space<vmem>>, vector<32x1024xi32>
      %lt3A = vector.broadcast %broadcast_in_dim3A_301 : vector<1x1024xf32> to vector<32x1024xf32>
      %lt3A_326 = arith.cmpf olt, %get3A_322, %lt3A : vector<32x1024xf32>
      %eq3A_327 = vector.broadcast %broadcast_in_dim3A_301 : vector<1x1024xf32> to vector<32x1024xf32>
      %eq3A_328 = arith.cmpf oeq, %get3A_322, %eq3A_327 : vector<32x1024xf32>
      %lt3A_329 = vector.broadcast %add3A_319 : vector<1x1024xi32> to vector<32x1024xi32>
      %lt3A_330 = arith.cmpi slt, %get3A_325, %lt3A_329 : vector<32x1024xi32>
      %and3A = arith.andi %eq3A_328, %lt3A_330 : vector<32x1024xi1>
      %or3A = arith.ori %lt3A_326, %and3A : vector<32x1024xi1>
      %convert_element_type3A_331 = arith.extui %or3A : vector<32x1024xi1> to vector<32x1024xi32>
      %reduce_sum3A_332 = arith.constant dense<0> : vector<1024xi32>
      %reduce_sum3A_333 = vector.multi_reduction <add>, %convert_element_type3A_331, %reduce_sum3A_332 [0] : vector<32x1024xi32> to vector<1024xi32>
      %broadcast_in_dim3A_334 = vector.shape_cast %reduce_sum3A_333 : vector<1024xi32> to vector<1x1024xi32>
      %roll3A = arith.constant 1 : i32
      %roll3A_335 = tpu.dynamic_rotate %get3A_322 by %roll3A dim 0 : vector<32x1024xf32>, i32 -> vector<32x1024xf32>
      %roll3A_336 = arith.constant 1 : i32
      %roll3A_337 = tpu.dynamic_rotate %get3A_325 by %roll3A_336 dim 0 : vector<32x1024xi32>, i32 -> vector<32x1024xi32>
      %lt3A_338 = vector.broadcast %broadcast_in_dim3A_334 : vector<1x1024xi32> to vector<32x1024xi32>
      %lt3A_339 = arith.cmpi slt, %iota3A_21, %lt3A_338 : vector<32x1024xi32>
      %eq3A_340 = vector.broadcast %broadcast_in_dim3A_334 : vector<1x1024xi32> to vector<32x1024xi32>
      %eq3A_341 = arith.cmpi eq, %iota3A_21, %eq3A_340 : vector<32x1024xi32>
      %broadcast_in_dim3A_342 = vector.shape_cast %broadcast_in_dim3A_301 : vector<1x1024xf32> to vector<1x1024xf32>
      %broadcast_in_dim3A_343 = vector.broadcast %broadcast_in_dim3A_342 : vector<1x1024xf32> to vector<32x1024xf32>
      %select_n3A_344 = arith.select %eq3A_341, %broadcast_in_dim3A_343, %roll3A_335 : vector<32x1024xi1>, vector<32x1024xf32>
      %select_n3A_345 = arith.select %lt3A_339, %get3A_322, %select_n3A_344 : vector<32x1024xi1>, vector<32x1024xf32>
      %swap3A_346 = arith.constant 0 : index
      %swap3A_347 = arith.constant 0 : index
      %swap3A_348 = vector.load %arg4[%swap3A_346, %swap3A_347] : memref<32x1024xf32, #tpu.memory_space<vmem>>, vector<32x1024xf32>
      tpu.vector_store %arg4[%swap3A_346, %swap3A_347], %select_n3A_345 {strides = array<i32>} : memref<32x1024xf32, #tpu.memory_space<vmem>>, vector<32x1024xf32>,
      %lt3A_349 = vector.broadcast %broadcast_in_dim3A_334 : vector<1x1024xi32> to vector<32x1024xi32>
      %lt3A_350 = arith.cmpi slt, %iota3A_21, %lt3A_349 : vector<32x1024xi32>
      %eq3A_351 = vector.broadcast %broadcast_in_dim3A_334 : vector<1x1024xi32> to vector<32x1024xi32>
      %eq3A_352 = arith.cmpi eq, %iota3A_21, %eq3A_351 : vector<32x1024xi32>
      %broadcast_in_dim3A_353 = vector.shape_cast %add3A_319 : vector<1x1024xi32> to vector<1x1024xi32>
      %broadcast_in_dim3A_354 = vector.broadcast %broadcast_in_dim3A_353 : vector<1x1024xi32> to vector<32x1024xi32>
      %select_n3A_355 = arith.select %eq3A_352, %broadcast_in_dim3A_354, %roll3A_337 : vector<32x1024xi1>, vector<32x1024xi32>
      %select_n3A_356 = arith.select %lt3A_350, %get3A_325, %select_n3A_355 : vector<32x1024xi1>, vector<32x1024xi32>
      %swap3A_357 = arith.constant 0 : index
      %swap3A_358 = arith.constant 0 : index
      %swap3A_359 = vector.load %arg5[%swap3A_357, %swap3A_358] : memref<32x1024xi32, #tpu.memory_space<vmem>>, vector<32x1024xi32>
      tpu.vector_store %arg5[%swap3A_357, %swap3A_358], %select_n3A_356 {strides = array<i32>} : memref<32x1024xi32, #tpu.memory_space<vmem>>, vector<32x1024xi32>,
    }
    %while3A_290 = arith.constant 1 : i32
    scf.for %while3A_296 = %while3A_288 to %while3A_284 step %while3A_290  : i32 {
      %get3A_297 = arith.constant 1792 : index
      %get3A_298 = arith.constant 0 : index
      %get3A_299 = vector.load %arg6[%get3A_297, %get3A_298] : memref<2048x1024xf32, #tpu.memory_space<vmem>>, vector<256x1024xf32>
      %reduce_min3A = arith.constant dense<0x7F800000> : vector<1024xf32>
      %reduce_min3A_300 = vector.multi_reduction <minimumf>, %get3A_299, %reduce_min3A [0] : vector<256x1024xf32> to vector<1024xf32>
      %broadcast_in_dim3A_301 = vector.shape_cast %reduce_min3A_300 : vector<1024xf32> to vector<1x1024xf32>
      %eq3A_302 = vector.broadcast %broadcast_in_dim3A_301 : vector<1x1024xf32> to vector<256x1024xf32>
      %eq3A_303 = arith.cmpf oeq, %get3A_299, %eq3A_302 : vector<256x1024xf32>
      %jit3A_304 = arith.constant 2147483647 : i32
      %broadcast_in_dim3A_305 = vector.broadcast %jit3A_304 : i32 to vector<256x1024xi32>
      %select_n3A_306 = arith.select %eq3A_303, %iota3A_22, %broadcast_in_dim3A_305 : vector<256x1024xi1>, vector<256x1024xi32>
      %reduce_min3A_307 = arith.constant dense<2147483647> : vector<1024xi32>
      %reduce_min3A_308 = vector.multi_reduction <minsi>, %select_n3A_306, %reduce_min3A_307 [0] : vector<256x1024xi32> to vector<1024xi32>
      %broadcast_in_dim3A_309 = vector.shape_cast %reduce_min3A_308 : vector<1024xi32> to vector<1x1024xi32>
      %eq3A_310 = vector.broadcast %broadcast_in_dim3A_309 : vector<1x1024xi32> to vector<256x1024xi32>
      %eq3A_311 = arith.cmpi eq, %iota3A_22, %eq3A_310 : vector<256x1024xi32>
      %jit3A_312 = arith.constant 3.000000e+38 : f32
      %broadcast_in_dim3A_313 = vector.broadcast %jit3A_312 : f32 to vector<256x1024xf32>
      %select_n3A_314 = arith.select %eq3A_311, %broadcast_in_dim3A_313, %get3A_299 : vector<256x1024xi1>, vector<256x1024xf32>
      %swap3A_315 = arith.constant 1792 : index
      %swap3A_316 = arith.constant 0 : index
      %swap3A_317 = vector.load %arg6[%swap3A_315, %swap3A_316] : memref<2048x1024xf32, #tpu.memory_space<vmem>>, vector<256x1024xf32>
      tpu.vector_store %arg6[%swap3A_315, %swap3A_316], %select_n3A_314 {strides = array<i32>} : memref<2048x1024xf32, #tpu.memory_space<vmem>>, vector<256x1024xf32>,
      %add3A_318 = vector.broadcast %add3A_260 : i32 to vector<1x1024xi32>
      %add3A_319 = arith.addi %broadcast_in_dim3A_309, %add3A_318 : vector<1x1024xi32>
      %get3A_320 = arith.constant 0 : index
      %get3A_321 = arith.constant 0 : index
      %get3A_322 = vector.load %arg4[%get3A_320, %get3A_321] : memref<32x1024xf32, #tpu.memory_space<vmem>>, vector<32x1024xf32>
      %get3A_323 = arith.constant 0 : index
      %get3A_324 = arith.constant 0 : index
      %get3A_325 = vector.load %arg5[%get3A_323, %get3A_324] : memref<32x1024xi32, #tpu.memory_space<vmem>>, vector<32x1024xi32>
      %lt3A = vector.broadcast %broadcast_in_dim3A_301 : vector<1x1024xf32> to vector<32x1024xf32>
      %lt3A_326 = arith.cmpf olt, %get3A_322, %lt3A : vector<32x1024xf32>
      %eq3A_327 = vector.broadcast %broadcast_in_dim3A_301 : vector<1x1024xf32> to vector<32x1024xf32>
      %eq3A_328 = arith.cmpf oeq, %get3A_322, %eq3A_327 : vector<32x1024xf32>
      %lt3A_329 = vector.broadcast %add3A_319 : vector<1x1024xi32> to vector<32x1024xi32>
      %lt3A_330 = arith.cmpi slt, %get3A_325, %lt3A_329 : vector<32x1024xi32>
      %and3A = arith.andi %eq3A_328, %lt3A_330 : vector<32x1024xi1>
      %or3A = arith.ori %lt3A_326, %and3A : vector<32x1024xi1>
      %convert_element_type3A_331 = arith.extui %or3A : vector<32x1024xi1> to vector<32x1024xi32>
      %reduce_sum3A_332 = arith.constant dense<0> : vector<1024xi32>
      %reduce_sum3A_333 = vector.multi_reduction <add>, %convert_element_type3A_331, %reduce_sum3A_332 [0] : vector<32x1024xi32> to vector<1024xi32>
      %broadcast_in_dim3A_334 = vector.shape_cast %reduce_sum3A_333 : vector<1024xi32> to vector<1x1024xi32>
      %roll3A = arith.constant 1 : i32
      %roll3A_335 = tpu.dynamic_rotate %get3A_322 by %roll3A dim 0 : vector<32x1024xf32>, i32 -> vector<32x1024xf32>
      %roll3A_336 = arith.constant 1 : i32
      %roll3A_337 = tpu.dynamic_rotate %get3A_325 by %roll3A_336 dim 0 : vector<32x1024xi32>, i32 -> vector<32x1024xi32>
      %lt3A_338 = vector.broadcast %broadcast_in_dim3A_334 : vector<1x1024xi32> to vector<32x1024xi32>
      %lt3A_339 = arith.cmpi slt, %iota3A_21, %lt3A_338 : vector<32x1024xi32>
      %eq3A_340 = vector.broadcast %broadcast_in_dim3A_334 : vector<1x1024xi32> to vector<32x1024xi32>
      %eq3A_341 = arith.cmpi eq, %iota3A_21, %eq3A_340 : vector<32x1024xi32>
      %broadcast_in_dim3A_342 = vector.shape_cast %broadcast_in_dim3A_301 : vector<1x1024xf32> to vector<1x1024xf32>
      %broadcast_in_dim3A_343 = vector.broadcast %broadcast_in_dim3A_342 : vector<1x1024xf32> to vector<32x1024xf32>
      %select_n3A_344 = arith.select %eq3A_341, %broadcast_in_dim3A_343, %roll3A_335 : vector<32x1024xi1>, vector<32x1024xf32>
      %select_n3A_345 = arith.select %lt3A_339, %get3A_322, %select_n3A_344 : vector<32x1024xi1>, vector<32x1024xf32>
      %swap3A_346 = arith.constant 0 : index
      %swap3A_347 = arith.constant 0 : index
      %swap3A_348 = vector.load %arg4[%swap3A_346, %swap3A_347] : memref<32x1024xf32, #tpu.memory_space<vmem>>, vector<32x1024xf32>
      tpu.vector_store %arg4[%swap3A_346, %swap3A_347], %select_n3A_345 {strides = array<i32>} : memref<32x1024xf32, #tpu.memory_space<vmem>>, vector<32x1024xf32>,
      %lt3A_349 = vector.broadcast %broadcast_in_dim3A_334 : vector<1x1024xi32> to vector<32x1024xi32>
      %lt3A_350 = arith.cmpi slt, %iota3A_21, %lt3A_349 : vector<32x1024xi32>
      %eq3A_351 = vector.broadcast %broadcast_in_dim3A_334 : vector<1x1024xi32> to vector<32x1024xi32>
      %eq3A_352 = arith.cmpi eq, %iota3A_21, %eq3A_351 : vector<32x1024xi32>
      %broadcast_in_dim3A_353 = vector.shape_cast %add3A_319 : vector<1x1024xi32> to vector<1x1024xi32>
      %broadcast_in_dim3A_354 = vector.broadcast %broadcast_in_dim3A_353 : vector<1x1024xi32> to vector<32x1024xi32>
      %select_n3A_355 = arith.select %eq3A_352, %broadcast_in_dim3A_354, %roll3A_337 : vector<32x1024xi1>, vector<32x1024xi32>
      %select_n3A_356 = arith.select %lt3A_350, %get3A_325, %select_n3A_355 : vector<32x1024xi1>, vector<32x1024xi32>
      %swap3A_357 = arith.constant 0 : index
      %swap3A_358 = arith.constant 0 : index
      %swap3A_359 = vector.load %arg5[%swap3A_357, %swap3A_358] : memref<32x1024xi32, #tpu.memory_space<vmem>>, vector<32x1024xi32>
      tpu.vector_store %arg5[%swap3A_357, %swap3A_358], %select_n3A_356 {strides = array<i32>} : memref<32x1024xi32, #tpu.memory_space<vmem>>, vector<32x1024xi32>,
    }
    %eq3A_291 = arith.constant 48 : i32
    %eq3A_292 = arith.cmpi eq, %arg0, %eq3A_291 : i32
    %convert_element_type3A_293 = arith.extui %eq3A_292 : i1 to i32
    %cond3A_294 = arith.constant 0 : i32
    %cond3A_295 = arith.cmpi ne, %convert_element_type3A_293, %cond3A_294 : i32
    scf.if %cond3A_295 {
      %get3A_296 = arith.constant 0 : index
      %get3A_297 = arith.constant 0 : index
      %get3A_298 = vector.load %arg5[%get3A_296, %get3A_297] : memref<32x1024xi32, #tpu.memory_space<vmem>>, vector<32x1024xi32>
      %swap3A_299 = arith.constant 0 : index
      %swap3A_300 = arith.constant 0 : index
      %swap3A_301 = vector.load %arg3[%swap3A_299, %swap3A_300] : memref<32x1024xi32, #tpu.memory_space<vmem>>, vector<32x1024xi32>
      tpu.vector_store %arg3[%swap3A_299, %swap3A_300], %get3A_298 {strides = array<i32>} : memref<32x1024xi32, #tpu.memory_space<vmem>>, vector<32x1024xi32>,
    } else {
    }
    return
  }
  func.func @transform_0(%arg0: i32) -> (i32, i32) {
    %c0_i32 = arith.constant 0 : i32
    %c0_i32_0 = arith.constant 0 : i32
    %c0_i32_1 = arith.constant 0 : i32
    return %c0_i32, %c0_i32_0 : i32, i32
  }
  func.func @transform_1(%arg0: i32) -> (i32, i32) {
    %c0_i32 = arith.constant 0 : i32
    %c0_i32_0 = arith.constant 0 : i32
    return %arg0, %c0_i32 : i32, i32
  }
  func.func @transform_2(%arg0: i32) -> (i32, i32) {
    %c0_i32 = arith.constant 0 : i32
    %c0_i32_0 = arith.constant 0 : i32
    %c0_i32_1 = arith.constant 0 : i32
    return %c0_i32, %c0_i32_0 : i32, i32
  }
}

</mosaic_0001>

<sc_bundles>
// kernel: kernel.4.cloned.1.call-start
scs
__scs_entry_jumppad:
0x0: {  	(pc) =	sbr.rel $0x88, $3  }
0x1: {  	(tag) =	ssettag $0x0;
	lr =	simm.s32 $0x1  }
0x2: {  	[smem:$0x3F9F] =	sst lr;
	_ =	strace $0xD0000000  }
0x3: {  	_ = 	snop  }
0x4: {  	_ = 	snop  }
0x5: {  	_ = 	snop  }
0x6: {  	_ = 	snop  }
0x7: {  	_ = 	snop  }
__scs_overlays_trampoline_lowered:
0x8: {  	[smem:$0x3FAE] =	sst s0  }
0x9: {  	[smem:$0x3FAF] =	sst s1  }
0xa: {  	[smem:$0x3FB0] =	sst s2  }
0xb: {  	[smem:$0x3FB1] =	sst s3  }
0xc: {  	[smem:$0x3FB2] =	sst s4  }
0xd: {  	[smem:$0x3FB3] =	sst s5  }
0xe: {  	[smem:$0x3FB4] =	sst s6  }
0xf: {  	[smem:$0x3FB5] =	sst s7  }
0x10: {  	[smem:$0x3FB6] =	sst s8  }
0x11: {  	[smem:$0x3FB7] =	sst s9;
	s0 =	simm.s32 @!p0 $0x0  }
0x12: {  	s1 =	sld [smem:$0x3F9D];
	s0 =	simm.s32 @p0 $0x1  }
0x13: {  	[smem:$0x3FB8] =	sst s0;
	s0 =	simm.s32 @!p1 $0x0  }
0x14: {  	s2 =	sld [smem:$0x3F9C];
	s0 =	simm.s32 @p1 $0x1  }
0x15: {  	[smem:$0x3FB9] =	sst s0;
	s0 =	simm.s32 @!p2 $0x0  }
0x16: {  	s3 =	sld [smem:$0x3FDB];
	s0 =	simm.s32 @p2 $0x1  }
0x17: {  	s4 =	simm.s32 $0x1BF5;
	[smem:$0x3FBB] =	sst s0  }
0x18: {  	s0 =	sld [smem:$0x3F9E];
	_ =	swait.ge [sflag:s4], $0x0  }
0x19: {  	s7 =	sld [smem:$0x3F9F]  }
0x1a: {  	s8 =	sadd.s32 $0xFFFFE003, lr  }
0x1b: {  	s9 =	sadd.s32 $0xFFFFFEF7, lr;
	s5 =	simm.s32 $0xFFFFFFFF;
	p2 =	slt.u32 s8, $0xFFFFF086  }
0x1c: {  	p1 =	slt.u32 s9, $0xF7A;
	s5 =	simm.s32 @!p2 $0x0  }
0x1d: {  	s5 =	simm.s32 @p1 $0x1;
	p0 =	seq.s32 s7, s2  }
0x1e: {  	s7 =	smul.u32 @!p0 $0xF7A, s2;
	p2 =	seq.s32 @!p0 s5, $0x0  }
0x1f: {  	s9 =	smul.u32 $0xF7A, s1;
	s8 =	simm.s32 @!p0 $0x1BF5;
	p2 =	por !p2, p0  }
0x20: {  	[sflag:s8] =	ssyncset.s32 @!p0 $0xFFFFF086;
	s6 =	sadd.s32 @!p0 s3, s7;
	s7 =	simm.s32 @!p0 $0x108  }
0x21: {  	s3 =	sadd.s32 s3, s9;
	s6 =	sadd.s32 @!p0 $0x88, s6;
	s7 =	simm.s32 @p2 $0x1082  }
0x22: {  	[simem:s7], [sflag:s8] =	dma.local @!p0 [hbm:s6], $0xF7A  }
0x23: {  	s9 =	sor.u32 $0xD0000000, s2;
	s6 =	simm.s32 $0x108;
	_ =	swait.ge @!p0 [sflag:s8], $0x0  }
0x24: {  	s3 =	sadd.s32 $0x88, s3;
	s6 =	simm.s32 @!p1 $0x1082;
	[sflag:s4] =	ssyncset.s32 $0xFFFFF086  }
0x25: {  	[simem:s6], [sflag:s4] =	dma.local [hbm:s3], $0xF7A  }
0x26: {  	[smem:$0x3F9F] =	sst s1;
	(tag) =	ssettag s2;
	_ =	strace s9  }
0x27: {  	s1 =	sld [smem:$0x3FAF]  }
0x28: {  	s2 =	sld [smem:$0x3FB0]  }
0x29: {  	s4 =	sld [smem:$0x3FB2]  }
0x2a: {  	p0 =	seq.s32 s5, $0x0;
	s5 =	sld [smem:$0x3FB3]  }
0x2b: {  	s6 =	sld [smem:$0x3FB4]  }
0x2c: {  	s7 =	sld [smem:$0x3FB5]  }
0x2d: {  	s3 =	simm.s32 $0x108;
	s8 =	sld [smem:$0x3FB6]  }
0x2e: {  	s3 =	simm.s32 @!p0 $0x1082;
	s9 =	sld [smem:$0x3FB7]  }
0x2f: {  	lr =	sadd.s32 s0, s3;
	s0 =	sld [smem:$0x3FAE]  }
0x30: {  	s3 =	sld [smem:$0x3FB1]  }
0x31: {  	[smem:$0x3FBA] =	sst s10  }
0x32: {  	s10 =	sld [smem:$0x3FB8];
	_ =	sdelay $0x3  }
0x33: {  	p0 =	seq.s32 s10, $0x1;
	s10 =	sld [smem:$0x3FBA];
	_ =	sdelay $0x3  }
0x34: {  	[smem:$0x3FBA] =	sst s10  }
0x35: {  	s10 =	sld [smem:$0x3FB9];
	_ =	sdelay $0x3  }
0x36: {  	p1 =	seq.s32 s10, $0x1;
	s10 =	sld [smem:$0x3FBA];
	_ =	sdelay $0x3  }
0x37: {  	[smem:$0x3FBA] =	sst s10  }
0x38: {  	s10 =	sld [smem:$0x3FBB]  }
0x39: {  	_ = 	snop;
	(pc) =	sbr.ind lr, $3  }
0x3a: {  	_ = 	snop  }
0x3b: {  	_ = 	snop  }
0x3c: {  	p2 =	seq.s32 s10, $0x1;
	s10 =	sld [smem:$0x3FBA]  }
0x3d: {  	_ =	shalt  }
0x3e: {  	_ =	shalt  }
0x3f: {  	_ =	shalt  }
0x40: {  	_ =	shalt  }
0x41: {  	_ =	shalt  }
0x42: {  	_ =	shalt  }
0x43: {  	_ =	shalt  }
0x44: {  	_ =	shalt  }
0x45: {  	_ =	shalt  }
0x46: {  	_ =	shalt  }
0x47: {  	_ =	shalt  }
0x48: {  	_ =	shalt  }
0x49: {  	_ =	shalt  }
0x4a: {  	_ =	shalt  }
0x4b: {  	_ =	shalt  }
0x4c: {  	_ =	shalt  }
0x4d: {  	_ =	shalt  }
0x4e: {  	_ =	shalt  }
0x4f: {  	_ =	shalt  }
0x50: {  	_ =	shalt  }
0x51: {  	_ =	shalt  }
0x52: {  	_ =	shalt  }
0x53: {  	_ =	shalt  }
0x54: {  	_ =	shalt  }
0x55: {  	_ =	shalt  }
0x56: {  	_ =	shalt  }
0x57: {  	_ =	shalt  }
0x58: {  	_ =	shalt  }
0x59: {  	_ =	shalt  }
0x5a: {  	_ =	shalt  }
0x5b: {  	_ =	shalt  }
0x5c: {  	_ =	shalt  }
0x5d: {  	_ =	shalt  }
0x5e: {  	_ =	shalt  }
0x5f: {  	_ =	shalt  }
0x60: {  	_ =	shalt  }
0x61: {  	_ =	shalt  }
0x62: {  	_ =	shalt  }
0x63: {  	_ =	shalt  }
0x64: {  	_ =	shalt  }
0x65: {  	_ =	shalt  }
0x66: {  	_ =	shalt  }
0x67: {  	_ =	shalt  }
0x68: {  	_ =	shalt  }
0x69: {  	_ =	shalt  }
0x6a: {  	_ =	shalt  }
0x6b: {  	_ =	shalt  }
0x6c: {  	_ =	shalt  }
0x6d: {  	_ =	shalt  }
0x6e: {  	_ =	shalt  }
0x6f: {  	_ =	shalt  }
0x70: {  	_ =	shalt  }
0x71: {  	_ =	shalt  }
0x72: {  	_ =	shalt  }
0x73: {  	_ =	shalt  }
0x74: {  	_ =	shalt  }
0x75: {  	_ =	shalt  }
0x76: {  	_ =	shalt  }
0x77: {  	_ =	shalt  }
0x78: {  	_ =	shalt  }
0x79: {  	_ =	shalt  }
0x7a: {  	_ =	shalt  }
0x7b: {  	_ =	shalt  }
0x7c: {  	_ =	shalt  }
0x7d: {  	_ =	shalt  }
0x7e: {  	_ =	shalt  }
0x7f: {  	_ =	shalt  }
0x80: {  	_ =	shalt  }
0x81: {  	_ =	shalt  }
0x82: {  	_ =	shalt  }
0x83: {  	_ =	shalt  }
0x84: {  	_ =	shalt  }
0x85: {  	_ =	shalt  }
0x86: {  	_ =	shalt  }
0x87: {  	_ =	shalt  }
.Lfunc_end0:
.L_simem_size_0:
called_computation_lowered:
.L_overlay_start_0:
0x88: {  	s2 =	sld [smem:$0x3FD9]  }
0x89: {  	s3 =	sld [smem:$0x3FFE];
	_ =	sdelay $0x1  }
0x8a: {  	s1 =	srdreg.scid  }
0x8b: {  	s0 =	sand.u32 $0x1, s1  }
0x8c: {  	s17 =	sshll.u32 s0, $0xA;
	s2 =	sadd.s32 s3, s2  }
0x8d: {  	s2 =	sadd.s32 s2, s17  }
0x8e: {  	[smem:$0x3FC6] =	sst s2  }
0x8f: {  	_ = 	snop  }
0x90: {  	s2 =	sld [smem:$0x3FC8]  }
0x91: {  	s18 =	sld [smem:$0x3FD0];
	(tm) =	ssettm $0x1  }
0x92: {  	s4 =	sld [smem:$0x3FFB];
	_ =	sdelay $0x3  }
0x93: {  	_ =	strace s4  }
0x94: {  	s4 =	sld [smem:$0x3FFC];
	_ =	sdelay $0x3  }
0x95: {  	_ =	strace s4  }
0x96: {  	s4 =	sld [smem:$0x3FFD];
	_ =	sdelay $0x3  }
0x97: {  	_ =	strace s4  }
0x98: {  	_ =	strace $0x8FFFFFFF  }
0x99: {  	s19 =	sld [smem:$0x3FDB];
	_ =	sdelay $0x1  }
0x9a: {  	s5 =	simm.s32 $_scs_section_size  }
0x9b: {  	s6 =	simm.s32 $_size__tile_overlayer_lowered;
	s7 =	simm.s32 $_tile_overlayer_lowered  }
0x9c: {  	s22 =	simm.s32 $0x1BFF;
	s21 =	sshll.u32 s7, $0x1;
	s4 =	sadd.s32 s5, s19  }
0x9d: {  	s8 =	simm.s32 $0x0;
	s20 =	sshll.u32 s6, $0x1;
	s6 =	sadd.s32 s21, s4  }
0x9e: {  	[timem:s8], [sflag:s22] =	dma.local [hbm:s6], s20  }
0x9f: {  	_ =	swait.ge [sflag:s22], s20  }
0xa0: {  	s5 =	ssub.s32 $0x0, s20;
	[sflag:s22] =	ssyncset.done $0x0  }
0xa1: {  	[sflag:s22] =	ssyncadd.s32 s5;
	_ =	sdelay $0x1  }
0xa2: {  	s23 =	simm.s32 $0x1B8B  }
0xa3: {  	_ =	swait.ge [sflag:s23], $0x1  }
0xa4: {  	[sflag:s23] =	ssyncset.done $0x0  }
0xa5: {  	s25 =	simm.s32 $0x1B8E;
	s24 =	sld [smem:$0x3FFE];
	[sflag:s23] =	ssyncadd.s32 $0xFFFFFFFF  }
0xa6: {  	s26 =	simm.s32 $execute0_lowered;
	[smem:$0x3FD2] =	sst s25  }
0xa7: {  	s6 =	sshll.u32 s26, $0x1;
	_ =	strace $0x80000046;
	[dreg:$0x1] =	wrdreg $0xFFFFFFFF  }
0xa8: {  	s28 =	simm.s32 $_size_execute0_lowered;
	s4 =	sadd.s32 s4, s6;
	[dreg:$0x0] =	wrdreg $0x0  }
0xa9: {  	s6 =	sshll.u32 s28, $0x1;
	[dreg:$0x2] =	wrdreg s4  }
0xaa: {  	[dreg:$0x3] =	wrdreg s6  }
0xab: {  	[dreg:$0x4] =	wrdreg $0xC0  }
0xac: {  	_ =	task [dreg:s8], $0x5FFFF  }
0xad: {  	[dreg:$0x1] =	wrdreg $0xFFFFFFFF  }
0xae: {  	[dreg:$0x0] =	wrdreg $0x60  }
0xaf: {  	[dreg:$0x2] =	wrdreg s2  }
0xb0: {  	[dreg:$0x3] =	wrdreg s24  }
0xb1: {  	[dreg:$0x4] =	wrdreg s18  }
0xb2: {  	[dreg:$0x5] =	wrdreg $0x9  }
0xb3: {  	_ =	task.clear_ibuf [dreg:s8], $0x6FFFF;
	_ =	strace $0x90000046  }
0xb4: {  	s29 =	simm.s32 $0x9;
	_ =	strace $0x80000048  }
0xb5: {  	_ =	swait.ge [sflag:s29], $0x1  }
0xb6: {  	[sflag:s29] =	ssyncadd.s32 $0xFFFFFFFF  }
0xb7: {  	_ =	strace $0x90000048  }
0xb8: {  	_ =	sfence  }
0xb9: {  	s30 =	sld [smem:$0x0];
	_ =	sdelay $0x2  }
0xba: {  	s31 =	sshll.u32 s1, $0xD;
	s1 =	sshrl.u32 s1, $0x2  }
0xbb: {  	s3 =	sand.u32 $0x4000, s31;
	s1 =	sadd.s32 s1, s30  }
0xbc: {  	s0 =	sor.u32 s3, s0;
	s1 =	sshll.u32 s1, $0x11  }
0xbd: {  	s0 =	sor.u32 s1, s0  }
0xbe: {  	s0 =	sadd.s32 $0x8F2B, s0  }
0xbf: {  	[sflag:s0] =	ssyncadd.remote.s32 $0x1  }
0xc0: {  	_ =	sfence.sel $0xFFFF  }
0xc1: {  	[dreg:$0x0] =	wrdreg $0xFFFFFFFF;
	(pc) =	sbr.abs _section_cstart, $3  }
0xc2: {  	[dreg:$0x1] =	wrdreg $0xFFFFFFFF  }
0xc3: {  	_ =	task.clear_ibuf [dreg:s8], $0x2FFFF;
	_ =	strace $0x9FFFFFFF  }
0xc4: {  	(tm) =	ssettm $0x7FFFFFFF  }
0xc5: {  	_ =	shalt  }
tec
execute0_lowered:
.L_overlay_start_1:
0x0: {  	(tag) =	ssettag $0x1  }
0x1: {  	s1 =	rddreg [dreg:$0x0]  }
0x2: {  	s4 =	rddreg [dreg:$0x1]  }
0x3: {  	s5 =	rddreg [dreg:$0x2]  }
0x4: {  	s0 =	rddreg [dreg:$0x3]  }
0x5: {  	s6 =	srdreg.scid;
	s2 =	stileid.u32  }
0x6: {  	s3 =	simm.s32 $0x0;
	s10 =	simm.s32 $0x1;
	s11 =	simm.s32 $0x1400  }
0x7: {  	s12 =	simm.s32 $0x0;
	s6 =	sand.u32 $0x1, s6;
	s7 =	sshll.u32 s2, $0x1  }
0x8: {  	[smem:$0x7FF] =	sst s3;
	s7 =	sor.u32 s6, s7;
	s6 =	ssub.s32 $0x2, s6  }
0x9: {  	_ =	strace $0x80000047;
	s8 =	sshll.u32 s7, $0x7;
	s9 =	sshrl.u32 s6, $0x1  }
0xa: {  	s7 =	sshll.u32 s7, $0x9;
	s4 =	sadd.s32 s8, s4;
	s6 =	ssub.s32 s6, s9  }
0xb: {  	s5 =	sadd.s32 s5, s7;
	s7 =	simm.s32 $0x2;
	s8 =	simm.s32 $0x20  }
0xc: {  	s9 =	simm.s32 $0x400;
	s4 =	sadd.s32 $0x400, s4;
	s6 =	smax.u32 s6, $0x1  }
.LBB2_1:
0xd: {  	[tilespmem:s3], [sflag:$0x2] =	stream.linear.gather [hbm4b:s4+s3], $0x400, $0x38;
	[tilespmem:$0x2400] =	vst v63  }
0xe: {  	_ =	swait.ge [sflag:s7], $0x400  }
0xf: {  	[sflag:s7] =	ssyncset.done $0x0  }
0x10: {  	s13 =	simm.s32 $0x1440;
	s14 =	simm.s32 $0x0;
	[sflag:s7] =	ssyncadd.s32 $0xFFFFFC00  }
.LBB2_2:
0x11: {  	s15 =	sshra.s32 s14, $0x2  }
0x12: {  	[tilespmem:s9], [sflag:$0x1] =	stream.indirect.gather [hbm4b:s1+s8], $0x80, s15, s8, $0xb8;
	[tilespmem:$0x2400] =	vst v63  }
0x13: {  	_ =	swait.ge [sflag:s10], $0x1000  }
0x14: {  	[sflag:s10] =	ssyncset.done $0x0  }
0x15: {  	[sflag:s10] =	ssyncadd.s32 $0xFFFFF000  }
0x16: {  	v0 =	vld [tilespmem:$0x400];
	_ =	sdelay $0x1  }
0x17: {  	v1 =	vld [tilespmem:$0x480];
	_ =	sdelay $0x1  }
0x18: {  	v2 =	vld [tilespmem:$0x500]  }
0x19: {  	v0 =	vadd.f32 $0.0e+00, v0  }
0x1a: {  	v3 =	vld [tilespmem:$0x580]  }
0x1b: {  	v0 =	vadd.f32 v1, v0  }
0x1c: {  	v51 =	vld [tilespmem:$0x600]  }
0x1d: {  	v0 =	vadd.f32 v2, v0  }
0x1e: {  	v52 =	vld [tilespmem:$0x680]  }
0x1f: {  	v0 =	vadd.f32 v3, v0  }
0x20: {  	v53 =	vld [tilespmem:$0x700]  }
0x21: {  	v0 =	vadd.f32 v51, v0  }
0x22: {  	v54 =	vld [tilespmem:$0x780]  }
0x23: {  	v0 =	vadd.f32 v52, v0  }
0x24: {  	v55 =	vld [tilespmem:$0x800]  }
0x25: {  	v0 =	vadd.f32 v53, v0  }
0x26: {  	v56 =	vld [tilespmem:$0x880]  }
0x27: {  	v0 =	vadd.f32 v54, v0  }
0x28: {  	v57 =	vld [tilespmem:$0x900]  }
0x29: {  	v0 =	vadd.f32 v55, v0  }
0x2a: {  	v58 =	vld [tilespmem:$0x980]  }
0x2b: {  	v0 =	vadd.f32 v56, v0  }
0x2c: {  	v59 =	vld [tilespmem:$0xA00]  }
0x2d: {  	v0 =	vadd.f32 v57, v0  }
0x2e: {  	v60 =	vld [tilespmem:$0xA80]  }
0x2f: {  	v0 =	vadd.f32 v58, v0  }
0x30: {  	v61 =	vld [tilespmem:$0xB00]  }
0x31: {  	v0 =	vadd.f32 v59, v0  }
0x32: {  	v62 =	vld [tilespmem:$0xB80]  }
0x33: {  	v0 =	vadd.f32 v60, v0  }
0x34: {  	v63 =	vld [tilespmem:$0xC00]  }
0x35: {  	v0 =	vadd.f32 v61, v0  }
0x36: {  	v6 =	vld [tilespmem:$0xC80]  }
0x37: {  	v0 =	vadd.f32 v62, v0  }
0x38: {  	v7 =	vld [tilespmem:$0xD00]  }
0x39: {  	v0 =	vadd.f32 v63, v0  }
0x3a: {  	v8 =	vld [tilespmem:$0xD80]  }
0x3b: {  	v0 =	vadd.f32 v6, v0  }
0x3c: {  	v9 =	vld [tilespmem:$0xE00]  }
0x3d: {  	v0 =	vadd.f32 v7, v0  }
0x3e: {  	v10 =	vld [tilespmem:$0xE80]  }
0x3f: {  	v0 =	vadd.f32 v8, v0  }
0x40: {  	v11 =	vld [tilespmem:$0xF00]  }
0x41: {  	v0 =	vadd.f32 v9, v0  }
0x42: {  	v12 =	vld [tilespmem:$0xF80]  }
0x43: {  	v0 =	vadd.f32 v10, v0  }
0x44: {  	v13 =	vld [tilespmem:$0x1000]  }
0x45: {  	v0 =	vadd.f32 v11, v0  }
0x46: {  	v14 =	vld [tilespmem:$0x1080]  }
0x47: {  	v0 =	vadd.f32 v12, v0  }
0x48: {  	v15 =	vld [tilespmem:$0x1100]  }
0x49: {  	v0 =	vadd.f32 v13, v0  }
0x4a: {  	v16 =	vld [tilespmem:$0x1180]  }
0x4b: {  	v0 =	vadd.f32 v14, v0  }
0x4c: {  	v17 =	vld [tilespmem:$0x1200]  }
0x4d: {  	v0 =	vadd.f32 v15, v0  }
0x4e: {  	v18 =	vld [tilespmem:$0x1280]  }
0x4f: {  	v0 =	vadd.f32 v16, v0  }
0x50: {  	v19 =	vld [tilespmem:$0x1300]  }
0x51: {  	v0 =	vadd.f32 v17, v0  }
0x52: {  	v20 =	vld [tilespmem:$0x1380]  }
0x53: {  	v0 =	vadd.f32 v18, v0;
	_ =	sdelay $0x1  }
0x54: {  	v0 =	vadd.f32 v19, v0;
	_ =	sdelay $0x1  }
0x55: {  	v0 =	vadd.f32 v20, v0;
	_ =	sdelay $0x1  }
0x56: {  	v0 =	vmul.f32 $3.125000000e-02, v0;
	_ =	sdelay $0x1  }
0x57: {  	[tilespmem:s13+$0xFFFFFFC0] =	vst v0  }
0x58: {  	v0 =	vld [tilespmem:$0x410];
	_ =	sdelay $0x1  }
0x59: {  	v21 =	vld [tilespmem:$0x490];
	_ =	sdelay $0x1  }
0x5a: {  	v22 =	vld [tilespmem:$0x510]  }
0x5b: {  	v0 =	vadd.f32 $0.0e+00, v0  }
0x5c: {  	v23 =	vld [tilespmem:$0x590]  }
0x5d: {  	v0 =	vadd.f32 v21, v0  }
0x5e: {  	v24 =	vld [tilespmem:$0x610]  }
0x5f: {  	v0 =	vadd.f32 v22, v0  }
0x60: {  	v25 =	vld [tilespmem:$0x690]  }
0x61: {  	v0 =	vadd.f32 v23, v0  }
0x62: {  	v26 =	vld [tilespmem:$0x710]  }
0x63: {  	v0 =	vadd.f32 v24, v0  }
0x64: {  	v27 =	vld [tilespmem:$0x790]  }
0x65: {  	v0 =	vadd.f32 v25, v0  }
0x66: {  	v28 =	vld [tilespmem:$0x810]  }
0x67: {  	v0 =	vadd.f32 v26, v0  }
0x68: {  	v29 =	vld [tilespmem:$0x890]  }
0x69: {  	v0 =	vadd.f32 v27, v0  }
0x6a: {  	v30 =	vld [tilespmem:$0x910]  }
0x6b: {  	v0 =	vadd.f32 v28, v0  }
0x6c: {  	v31 =	vld [tilespmem:$0x990]  }
0x6d: {  	v0 =	vadd.f32 v29, v0  }
0x6e: {  	v32 =	vld [tilespmem:$0xA10]  }
0x6f: {  	v0 =	vadd.f32 v30, v0  }
0x70: {  	v33 =	vld [tilespmem:$0xA90]  }
0x71: {  	v0 =	vadd.f32 v31, v0  }
0x72: {  	v34 =	vld [tilespmem:$0xB10]  }
0x73: {  	v0 =	vadd.f32 v32, v0  }
0x74: {  	v35 =	vld [tilespmem:$0xB90]  }
0x75: {  	v0 =	vadd.f32 v33, v0  }
0x76: {  	v36 =	vld [tilespmem:$0xC10]  }
0x77: {  	v0 =	vadd.f32 v34, v0  }
0x78: {  	v37 =	vld [tilespmem:$0xC90]  }
0x79: {  	v0 =	vadd.f32 v35, v0  }
0x7a: {  	v38 =	vld [tilespmem:$0xD10]  }
0x7b: {  	v0 =	vadd.f32 v36, v0  }
0x7c: {  	v39 =	vld [tilespmem:$0xD90]  }
0x7d: {  	v0 =	vadd.f32 v37, v0  }
0x7e: {  	v40 =	vld [tilespmem:$0xE10]  }
0x7f: {  	v0 =	vadd.f32 v38, v0  }
0x80: {  	v41 =	vld [tilespmem:$0xE90]  }
0x81: {  	v0 =	vadd.f32 v39, v0  }
0x82: {  	v42 =	vld [tilespmem:$0xF10]  }
0x83: {  	v0 =	vadd.f32 v40, v0  }
0x84: {  	v43 =	vld [tilespmem:$0xF90]  }
0x85: {  	v0 =	vadd.f32 v41, v0  }
0x86: {  	v44 =	vld [tilespmem:$0x1010]  }
0x87: {  	v0 =	vadd.f32 v42, v0  }
0x88: {  	v45 =	vld [tilespmem:$0x1090]  }
0x89: {  	v0 =	vadd.f32 v43, v0  }
0x8a: {  	v46 =	vld [tilespmem:$0x1110]  }
0x8b: {  	v0 =	vadd.f32 v44, v0  }
0x8c: {  	v47 =	vld [tilespmem:$0x1190]  }
0x8d: {  	v0 =	vadd.f32 v45, v0  }
0x8e: {  	v48 =	vld [tilespmem:$0x1210]  }
0x8f: {  	v0 =	vadd.f32 v46, v0  }
0x90: {  	v49 =	vld [tilespmem:$0x1290]  }
0x91: {  	v0 =	vadd.f32 v47, v0  }
0x92: {  	v50 =	vld [tilespmem:$0x1310]  }
0x93: {  	v0 =	vadd.f32 v48, v0  }
0x94: {  	v51 =	vld [tilespmem:$0x1390]  }
0x95: {  	v0 =	vadd.f32 v49, v0;
	_ =	sdelay $0x1  }
0x96: {  	v0 =	vadd.f32 v50, v0;
	_ =	sdelay $0x1  }
0x97: {  	v0 =	vadd.f32 v51, v0;
	_ =	sdelay $0x1  }
0x98: {  	v0 =	vmul.f32 $3.125000000e-02, v0;
	_ =	sdelay $0x1  }
0x99: {  	[tilespmem:s13+$0xFFFFFFD0] =	vst v0  }
0x9a: {  	v0 =	vld [tilespmem:$0x420];
	_ =	sdelay $0x1  }
0x9b: {  	v52 =	vld [tilespmem:$0x4A0];
	_ =	sdelay $0x1  }
0x9c: {  	v53 =	vld [tilespmem:$0x520]  }
0x9d: {  	v0 =	vadd.f32 $0.0e+00, v0  }
0x9e: {  	v54 =	vld [tilespmem:$0x5A0]  }
0x9f: {  	v0 =	vadd.f32 v52, v0  }
0xa0: {  	v55 =	vld [tilespmem:$0x620]  }
0xa1: {  	v0 =	vadd.f32 v53, v0  }
0xa2: {  	v56 =	vld [tilespmem:$0x6A0]  }
0xa3: {  	v0 =	vadd.f32 v54, v0  }
0xa4: {  	v57 =	vld [tilespmem:$0x720]  }
0xa5: {  	v0 =	vadd.f32 v55, v0  }
0xa6: {  	v58 =	vld [tilespmem:$0x7A0]  }
0xa7: {  	v0 =	vadd.f32 v56, v0  }
0xa8: {  	v59 =	vld [tilespmem:$0x820]  }
0xa9: {  	v0 =	vadd.f32 v57, v0  }
0xaa: {  	v60 =	vld [tilespmem:$0x8A0]  }
0xab: {  	v0 =	vadd.f32 v58, v0  }
0xac: {  	v61 =	vld [tilespmem:$0x920]  }
0xad: {  	v0 =	vadd.f32 v59, v0  }
0xae: {  	v62 =	vld [tilespmem:$0x9A0]  }
0xaf: {  	v0 =	vadd.f32 v60, v0  }
0xb0: {  	v63 =	vld [tilespmem:$0xA20]  }
0xb1: {  	v0 =	vadd.f32 v61, v0  }
0xb2: {  	v6 =	vld [tilespmem:$0xAA0]  }
0xb3: {  	v0 =	vadd.f32 v62, v0  }
0xb4: {  	v7 =	vld [tilespmem:$0xB20]  }
0xb5: {  	v0 =	vadd.f32 v63, v0  }
0xb6: {  	v8 =	vld [tilespmem:$0xBA0]  }
0xb7: {  	v0 =	vadd.f32 v6, v0  }
0xb8: {  	v9 =	vld [tilespmem:$0xC20]  }
0xb9: {  	v0 =	vadd.f32 v7, v0  }
0xba: {  	v10 =	vld [tilespmem:$0xCA0]  }
0xbb: {  	v0 =	vadd.f32 v8, v0  }
0xbc: {  	v11 =	vld [tilespmem:$0xD20]  }
0xbd: {  	v0 =	vadd.f32 v9, v0  }
0xbe: {  	v12 =	vld [tilespmem:$0xDA0]  }
0xbf: {  	v0 =	vadd.f32 v10, v0  }
0xc0: {  	v13 =	vld [tilespmem:$0xE20]  }
0xc1: {  	v0 =	vadd.f32 v11, v0  }
0xc2: {  	v14 =	vld [tilespmem:$0xEA0]  }
0xc3: {  	v0 =	vadd.f32 v12, v0  }
0xc4: {  	v15 =	vld [tilespmem:$0xF20]  }
0xc5: {  	v0 =	vadd.f32 v13, v0  }
0xc6: {  	v16 =	vld [tilespmem:$0xFA0]  }
0xc7: {  	v0 =	vadd.f32 v14, v0  }
0xc8: {  	v17 =	vld [tilespmem:$0x1020]  }
0xc9: {  	v0 =	vadd.f32 v15, v0  }
0xca: {  	v18 =	vld [tilespmem:$0x10A0]  }
0xcb: {  	v0 =	vadd.f32 v16, v0  }
0xcc: {  	v19 =	vld [tilespmem:$0x1120]  }
0xcd: {  	v0 =	vadd.f32 v17, v0  }
0xce: {  	v20 =	vld [tilespmem:$0x11A0]  }
0xcf: {  	v0 =	vadd.f32 v18, v0  }
0xd0: {  	v21 =	vld [tilespmem:$0x1220]  }
0xd1: {  	v0 =	vadd.f32 v19, v0  }
0xd2: {  	v22 =	vld [tilespmem:$0x12A0]  }
0xd3: {  	v0 =	vadd.f32 v20, v0  }
0xd4: {  	v23 =	vld [tilespmem:$0x1320]  }
0xd5: {  	v0 =	vadd.f32 v21, v0  }
0xd6: {  	v24 =	vld [tilespmem:$0x13A0]  }
0xd7: {  	v0 =	vadd.f32 v22, v0;
	_ =	sdelay $0x1  }
0xd8: {  	v0 =	vadd.f32 v23, v0;
	_ =	sdelay $0x1  }
0xd9: {  	v0 =	vadd.f32 v24, v0;
	_ =	sdelay $0x1  }
0xda: {  	v0 =	vmul.f32 $3.125000000e-02, v0;
	_ =	sdelay $0x1  }
0xdb: {  	[tilespmem:s13+$0xFFFFFFE0] =	vst v0  }
0xdc: {  	v0 =	vld [tilespmem:$0x430];
	_ =	sdelay $0x1  }
0xdd: {  	v25 =	vld [tilespmem:$0x4B0];
	_ =	sdelay $0x1  }
0xde: {  	v26 =	vld [tilespmem:$0x530]  }
0xdf: {  	v0 =	vadd.f32 $0.0e+00, v0  }
0xe0: {  	v27 =	vld [tilespmem:$0x5B0]  }
0xe1: {  	v0 =	vadd.f32 v25, v0  }
0xe2: {  	v28 =	vld [tilespmem:$0x630]  }
0xe3: {  	v0 =	vadd.f32 v26, v0  }
0xe4: {  	v29 =	vld [tilespmem:$0x6B0]  }
0xe5: {  	v0 =	vadd.f32 v27, v0  }
0xe6: {  	v30 =	vld [tilespmem:$0x730]  }
0xe7: {  	v0 =	vadd.f32 v28, v0  }
0xe8: {  	v31 =	vld [tilespmem:$0x7B0]  }
0xe9: {  	v0 =	vadd.f32 v29, v0  }
0xea: {  	v32 =	vld [tilespmem:$0x830]  }
0xeb: {  	v0 =	vadd.f32 v30, v0  }
0xec: {  	v33 =	vld [tilespmem:$0x8B0]  }
0xed: {  	v0 =	vadd.f32 v31, v0  }
0xee: {  	v34 =	vld [tilespmem:$0x930]  }
0xef: {  	v0 =	vadd.f32 v32, v0  }
0xf0: {  	v35 =	vld [tilespmem:$0x9B0]  }
0xf1: {  	v0 =	vadd.f32 v33, v0  }
0xf2: {  	v36 =	vld [tilespmem:$0xA30]  }
0xf3: {  	v0 =	vadd.f32 v34, v0  }
0xf4: {  	v37 =	vld [tilespmem:$0xAB0]  }
0xf5: {  	v0 =	vadd.f32 v35, v0  }
0xf6: {  	v38 =	vld [tilespmem:$0xB30]  }
0xf7: {  	v0 =	vadd.f32 v36, v0  }
0xf8: {  	v39 =	vld [tilespmem:$0xBB0]  }
0xf9: {  	v0 =	vadd.f32 v37, v0  }
0xfa: {  	v40 =	vld [tilespmem:$0xC30]  }
0xfb: {  	v0 =	vadd.f32 v38, v0  }
0xfc: {  	v41 =	vld [tilespmem:$0xCB0]  }
0xfd: {  	v0 =	vadd.f32 v39, v0  }
0xfe: {  	v42 =	vld [tilespmem:$0xD30]  }
0xff: {  	v0 =	vadd.f32 v40, v0  }
0x100: {  	v43 =	vld [tilespmem:$0xDB0]  }
0x101: {  	v0 =	vadd.f32 v41, v0  }
0x102: {  	v44 =	vld [tilespmem:$0xE30]  }
0x103: {  	v0 =	vadd.f32 v42, v0  }
0x104: {  	v45 =	vld [tilespmem:$0xEB0]  }
0x105: {  	v0 =	vadd.f32 v43, v0  }
0x106: {  	v46 =	vld [tilespmem:$0xF30]  }
0x107: {  	v0 =	vadd.f32 v44, v0  }
0x108: {  	v47 =	vld [tilespmem:$0xFB0]  }
0x109: {  	v0 =	vadd.f32 v45, v0  }
0x10a: {  	v48 =	vld [tilespmem:$0x1030]  }
0x10b: {  	v0 =	vadd.f32 v46, v0  }
0x10c: {  	v49 =	vld [tilespmem:$0x10B0]  }
0x10d: {  	v0 =	vadd.f32 v47, v0  }
0x10e: {  	v50 =	vld [tilespmem:$0x1130]  }
0x10f: {  	v0 =	vadd.f32 v48, v0  }
0x110: {  	v51 =	vld [tilespmem:$0x11B0]  }
0x111: {  	v0 =	vadd.f32 v49, v0  }
0x112: {  	v52 =	vld [tilespmem:$0x1230]  }
0x113: {  	v0 =	vadd.f32 v50, v0  }
0x114: {  	v53 =	vld [tilespmem:$0x12B0]  }
0x115: {  	v0 =	vadd.f32 v51, v0  }
0x116: {  	v54 =	vld [tilespmem:$0x1330]  }
0x117: {  	v0 =	vadd.f32 v52, v0  }
0x118: {  	v55 =	vld [tilespmem:$0x13B0]  }
0x119: {  	v0 =	vadd.f32 v53, v0;
	_ =	sdelay $0x1  }
0x11a: {  	v0 =	vadd.f32 v54, v0;
	_ =	sdelay $0x1  }
0x11b: {  	v0 =	vadd.f32 v55, v0;
	_ =	sdelay $0x1  }
0x11c: {  	v0 =	vmul.f32 $3.125000000e-02, v0;
	_ =	sdelay $0x1  }
0x11d: {  	[tilespmem:s13+$0xFFFFFFF0] =	vst v0  }
0x11e: {  	v0 =	vld [tilespmem:$0x440];
	_ =	sdelay $0x1  }
0x11f: {  	v56 =	vld [tilespmem:$0x4C0];
	_ =	sdelay $0x1  }
0x120: {  	v57 =	vld [tilespmem:$0x540]  }
0x121: {  	v0 =	vadd.f32 $0.0e+00, v0  }
0x122: {  	v58 =	vld [tilespmem:$0x5C0]  }
0x123: {  	v0 =	vadd.f32 v56, v0  }
0x124: {  	v59 =	vld [tilespmem:$0x640]  }
0x125: {  	v0 =	vadd.f32 v57, v0  }
0x126: {  	v60 =	vld [tilespmem:$0x6C0]  }
0x127: {  	v0 =	vadd.f32 v58, v0  }
0x128: {  	v61 =	vld [tilespmem:$0x740]  }
0x129: {  	v0 =	vadd.f32 v59, v0  }
0x12a: {  	v62 =	vld [tilespmem:$0x7C0]  }
0x12b: {  	v0 =	vadd.f32 v60, v0  }
0x12c: {  	v63 =	vld [tilespmem:$0x840]  }
0x12d: {  	v0 =	vadd.f32 v61, v0  }
0x12e: {  	v6 =	vld [tilespmem:$0x8C0]  }
0x12f: {  	v0 =	vadd.f32 v62, v0  }
0x130: {  	v7 =	vld [tilespmem:$0x940]  }
0x131: {  	v0 =	vadd.f32 v63, v0  }
0x132: {  	v8 =	vld [tilespmem:$0x9C0]  }
0x133: {  	v0 =	vadd.f32 v6, v0  }
0x134: {  	v9 =	vld [tilespmem:$0xA40]  }
0x135: {  	v0 =	vadd.f32 v7, v0  }
0x136: {  	v10 =	vld [tilespmem:$0xAC0]  }
0x137: {  	v0 =	vadd.f32 v8, v0  }
0x138: {  	v11 =	vld [tilespmem:$0xB40]  }
0x139: {  	v0 =	vadd.f32 v9, v0  }
0x13a: {  	v12 =	vld [tilespmem:$0xBC0]  }
0x13b: {  	v0 =	vadd.f32 v10, v0  }
0x13c: {  	v13 =	vld [tilespmem:$0xC40]  }
0x13d: {  	v0 =	vadd.f32 v11, v0  }
0x13e: {  	v14 =	vld [tilespmem:$0xCC0]  }
0x13f: {  	v0 =	vadd.f32 v12, v0  }
0x140: {  	v15 =	vld [tilespmem:$0xD40]  }
0x141: {  	v0 =	vadd.f32 v13, v0  }
0x142: {  	v16 =	vld [tilespmem:$0xDC0]  }
0x143: {  	v0 =	vadd.f32 v14, v0  }
0x144: {  	v17 =	vld [tilespmem:$0xE40]  }
0x145: {  	v0 =	vadd.f32 v15, v0  }
0x146: {  	v18 =	vld [tilespmem:$0xEC0]  }
0x147: {  	v0 =	vadd.f32 v16, v0  }
0x148: {  	v19 =	vld [tilespmem:$0xF40]  }
0x149: {  	v0 =	vadd.f32 v17, v0  }
0x14a: {  	v20 =	vld [tilespmem:$0xFC0]  }
0x14b: {  	v0 =	vadd.f32 v18, v0  }
0x14c: {  	v21 =	vld [tilespmem:$0x1040]  }
0x14d: {  	v0 =	vadd.f32 v19, v0  }
0x14e: {  	v22 =	vld [tilespmem:$0x10C0]  }
0x14f: {  	v0 =	vadd.f32 v20, v0  }
0x150: {  	v23 =	vld [tilespmem:$0x1140]  }
0x151: {  	v0 =	vadd.f32 v21, v0  }
0x152: {  	v24 =	vld [tilespmem:$0x11C0]  }
0x153: {  	v0 =	vadd.f32 v22, v0  }
0x154: {  	v25 =	vld [tilespmem:$0x1240]  }
0x155: {  	v0 =	vadd.f32 v23, v0  }
0x156: {  	v26 =	vld [tilespmem:$0x12C0]  }
0x157: {  	v0 =	vadd.f32 v24, v0  }
0x158: {  	v27 =	vld [tilespmem:$0x1340]  }
0x159: {  	v0 =	vadd.f32 v25, v0  }
0x15a: {  	v28 =	vld [tilespmem:$0x13C0]  }
0x15b: {  	v0 =	vadd.f32 v26, v0;
	_ =	sdelay $0x1  }
0x15c: {  	v0 =	vadd.f32 v27, v0;
	_ =	sdelay $0x1  }
0x15d: {  	v0 =	vadd.f32 v28, v0;
	_ =	sdelay $0x1  }
0x15e: {  	v0 =	vmul.f32 $3.125000000e-02, v0;
	_ =	sdelay $0x1  }
0x15f: {  	[tilespmem:s13+$0x0] =	vst v0  }
0x160: {  	v0 =	vld [tilespmem:$0x450];
	_ =	sdelay $0x1  }
0x161: {  	v29 =	vld [tilespmem:$0x4D0];
	_ =	sdelay $0x1  }
0x162: {  	v30 =	vld [tilespmem:$0x550]  }
0x163: {  	v0 =	vadd.f32 $0.0e+00, v0  }
0x164: {  	v31 =	vld [tilespmem:$0x5D0]  }
0x165: {  	v0 =	vadd.f32 v29, v0  }
0x166: {  	v32 =	vld [tilespmem:$0x650]  }
0x167: {  	v0 =	vadd.f32 v30, v0  }
0x168: {  	v33 =	vld [tilespmem:$0x6D0]  }
0x169: {  	v0 =	vadd.f32 v31, v0  }
0x16a: {  	v34 =	vld [tilespmem:$0x750]  }
0x16b: {  	v0 =	vadd.f32 v32, v0  }
0x16c: {  	v35 =	vld [tilespmem:$0x7D0]  }
0x16d: {  	v0 =	vadd.f32 v33, v0  }
0x16e: {  	v36 =	vld [tilespmem:$0x850]  }
0x16f: {  	v0 =	vadd.f32 v34, v0  }
0x170: {  	v37 =	vld [tilespmem:$0x8D0]  }
0x171: {  	v0 =	vadd.f32 v35, v0  }
0x172: {  	v38 =	vld [tilespmem:$0x950]  }
0x173: {  	v0 =	vadd.f32 v36, v0  }
0x174: {  	v39 =	vld [tilespmem:$0x9D0]  }
0x175: {  	v0 =	vadd.f32 v37, v0  }
0x176: {  	v40 =	vld [tilespmem:$0xA50]  }
0x177: {  	v0 =	vadd.f32 v38, v0  }
0x178: {  	v41 =	vld [tilespmem:$0xAD0]  }
0x179: {  	v0 =	vadd.f32 v39, v0  }
0x17a: {  	v42 =	vld [tilespmem:$0xB50]  }
0x17b: {  	v0 =	vadd.f32 v40, v0  }
0x17c: {  	v43 =	vld [tilespmem:$0xBD0]  }
0x17d: {  	v0 =	vadd.f32 v41, v0  }
0x17e: {  	v44 =	vld [tilespmem:$0xC50]  }
0x17f: {  	v0 =	vadd.f32 v42, v0  }
0x180: {  	v45 =	vld [tilespmem:$0xCD0]  }
0x181: {  	v0 =	vadd.f32 v43, v0  }
0x182: {  	v46 =	vld [tilespmem:$0xD50]  }
0x183: {  	v0 =	vadd.f32 v44, v0  }
0x184: {  	v47 =	vld [tilespmem:$0xDD0]  }
0x185: {  	v0 =	vadd.f32 v45, v0  }
0x186: {  	v48 =	vld [tilespmem:$0xE50]  }
0x187: {  	v0 =	vadd.f32 v46, v0  }
0x188: {  	v49 =	vld [tilespmem:$0xED0]  }
0x189: {  	v0 =	vadd.f32 v47, v0  }
0x18a: {  	v50 =	vld [tilespmem:$0xF50]  }
0x18b: {  	v0 =	vadd.f32 v48, v0  }
0x18c: {  	v51 =	vld [tilespmem:$0xFD0]  }
0x18d: {  	v0 =	vadd.f32 v49, v0  }
0x18e: {  	v52 =	vld [tilespmem:$0x1050]  }
0x18f: {  	v0 =	vadd.f32 v50, v0  }
0x190: {  	v53 =	vld [tilespmem:$0x10D0]  }
0x191: {  	v0 =	vadd.f32 v51, v0  }
0x192: {  	v54 =	vld [tilespmem:$0x1150]  }
0x193: {  	v0 =	vadd.f32 v52, v0  }
0x194: {  	v55 =	vld [tilespmem:$0x11D0]  }
0x195: {  	v0 =	vadd.f32 v53, v0  }
0x196: {  	v56 =	vld [tilespmem:$0x1250]  }
0x197: {  	v0 =	vadd.f32 v54, v0  }
0x198: {  	v57 =	vld [tilespmem:$0x12D0]  }
0x199: {  	v0 =	vadd.f32 v55, v0  }
0x19a: {  	v58 =	vld [tilespmem:$0x1350]  }
0x19b: {  	v0 =	vadd.f32 v56, v0  }
0x19c: {  	v59 =	vld [tilespmem:$0x13D0]  }
0x19d: {  	v0 =	vadd.f32 v57, v0;
	_ =	sdelay $0x1  }
0x19e: {  	v0 =	vadd.f32 v58, v0;
	_ =	sdelay $0x1  }
0x19f: {  	v0 =	vadd.f32 v59, v0;
	_ =	sdelay $0x1  }
0x1a0: {  	v0 =	vmul.f32 $3.125000000e-02, v0;
	_ =	sdelay $0x1  }
0x1a1: {  	[tilespmem:s13+$0x10] =	vst v0  }
0x1a2: {  	v0 =	vld [tilespmem:$0x460];
	_ =	sdelay $0x1  }
0x1a3: {  	v60 =	vld [tilespmem:$0x4E0];
	_ =	sdelay $0x1  }
0x1a4: {  	v61 =	vld [tilespmem:$0x560]  }
0x1a5: {  	v0 =	vadd.f32 $0.0e+00, v0  }
0x1a6: {  	v62 =	vld [tilespmem:$0x5E0]  }
0x1a7: {  	v0 =	vadd.f32 v60, v0  }
0x1a8: {  	v63 =	vld [tilespmem:$0x660]  }
0x1a9: {  	v0 =	vadd.f32 v61, v0  }
0x1aa: {  	v6 =	vld [tilespmem:$0x6E0]  }
0x1ab: {  	v0 =	vadd.f32 v62, v0  }
0x1ac: {  	v7 =	vld [tilespmem:$0x760]  }
0x1ad: {  	v0 =	vadd.f32 v63, v0  }
0x1ae: {  	v8 =	vld [tilespmem:$0x7E0]  }
0x1af: {  	v0 =	vadd.f32 v6, v0  }
0x1b0: {  	v9 =	vld [tilespmem:$0x860]  }
0x1b1: {  	v0 =	vadd.f32 v7, v0  }
0x1b2: {  	v10 =	vld [tilespmem:$0x8E0]  }
0x1b3: {  	v0 =	vadd.f32 v8, v0  }
0x1b4: {  	v11 =	vld [tilespmem:$0x960]  }
0x1b5: {  	v0 =	vadd.f32 v9, v0  }
0x1b6: {  	v12 =	vld [tilespmem:$0x9E0]  }
0x1b7: {  	v0 =	vadd.f32 v10, v0  }
0x1b8: {  	v13 =	vld [tilespmem:$0xA60]  }
0x1b9: {  	v0 =	vadd.f32 v11, v0  }
0x1ba: {  	v14 =	vld [tilespmem:$0xAE0]  }
0x1bb: {  	v0 =	vadd.f32 v12, v0  }
0x1bc: {  	v15 =	vld [tilespmem:$0xB60]  }
0x1bd: {  	v0 =	vadd.f32 v13, v0  }
0x1be: {  	v16 =	vld [tilespmem:$0xBE0]  }
0x1bf: {  	v0 =	vadd.f32 v14, v0  }
0x1c0: {  	v17 =	vld [tilespmem:$0xC60]  }
0x1c1: {  	v0 =	vadd.f32 v15, v0  }
0x1c2: {  	v18 =	vld [tilespmem:$0xCE0]  }
0x1c3: {  	v0 =	vadd.f32 v16, v0  }
0x1c4: {  	v19 =	vld [tilespmem:$0xD60]  }
0x1c5: {  	v0 =	vadd.f32 v17, v0  }
0x1c6: {  	v20 =	vld [tilespmem:$0xDE0]  }
0x1c7: {  	v0 =	vadd.f32 v18, v0  }
0x1c8: {  	v21 =	vld [tilespmem:$0xE60]  }
0x1c9: {  	v0 =	vadd.f32 v19, v0  }
0x1ca: {  	v22 =	vld [tilespmem:$0xEE0]  }
0x1cb: {  	v0 =	vadd.f32 v20, v0  }
0x1cc: {  	v23 =	vld [tilespmem:$0xF60]  }
0x1cd: {  	v0 =	vadd.f32 v21, v0  }
0x1ce: {  	v24 =	vld [tilespmem:$0xFE0]  }
0x1cf: {  	v0 =	vadd.f32 v22, v0  }
0x1d0: {  	v25 =	vld [tilespmem:$0x1060]  }
0x1d1: {  	v0 =	vadd.f32 v23, v0  }
0x1d2: {  	v26 =	vld [tilespmem:$0x10E0]  }
0x1d3: {  	v0 =	vadd.f32 v24, v0  }
0x1d4: {  	v27 =	vld [tilespmem:$0x1160]  }
0x1d5: {  	v0 =	vadd.f32 v25, v0  }
0x1d6: {  	v28 =	vld [tilespmem:$0x11E0]  }
0x1d7: {  	v0 =	vadd.f32 v26, v0  }
0x1d8: {  	v29 =	vld [tilespmem:$0x1260]  }
0x1d9: {  	v0 =	vadd.f32 v27, v0  }
0x1da: {  	v30 =	vld [tilespmem:$0x12E0]  }
0x1db: {  	v0 =	vadd.f32 v28, v0  }
0x1dc: {  	v31 =	vld [tilespmem:$0x1360]  }
0x1dd: {  	v0 =	vadd.f32 v29, v0  }
0x1de: {  	v32 =	vld [tilespmem:$0x13E0]  }
0x1df: {  	v0 =	vadd.f32 v30, v0;
	_ =	sdelay $0x1  }
0x1e0: {  	v0 =	vadd.f32 v31, v0;
	_ =	sdelay $0x1  }
0x1e1: {  	v0 =	vadd.f32 v32, v0;
	_ =	sdelay $0x1  }
0x1e2: {  	v0 =	vmul.f32 $3.125000000e-02, v0;
	_ =	sdelay $0x1  }
0x1e3: {  	[tilespmem:s13+$0x20] =	vst v0  }
0x1e4: {  	v0 =	vld [tilespmem:$0x470];
	_ =	sdelay $0x1  }
0x1e5: {  	v33 =	vld [tilespmem:$0x4F0];
	_ =	sdelay $0x1  }
0x1e6: {  	v34 =	vld [tilespmem:$0x570]  }
0x1e7: {  	v0 =	vadd.f32 $0.0e+00, v0  }
0x1e8: {  	v35 =	vld [tilespmem:$0x5F0]  }
0x1e9: {  	v0 =	vadd.f32 v33, v0  }
0x1ea: {  	v36 =	vld [tilespmem:$0x670]  }
0x1eb: {  	v0 =	vadd.f32 v34, v0  }
0x1ec: {  	v37 =	vld [tilespmem:$0x6F0]  }
0x1ed: {  	v0 =	vadd.f32 v35, v0  }
0x1ee: {  	v38 =	vld [tilespmem:$0x770]  }
0x1ef: {  	v0 =	vadd.f32 v36, v0  }
0x1f0: {  	v39 =	vld [tilespmem:$0x7F0]  }
0x1f1: {  	v0 =	vadd.f32 v37, v0  }
0x1f2: {  	v40 =	vld [tilespmem:$0x870]  }
0x1f3: {  	v0 =	vadd.f32 v38, v0  }
0x1f4: {  	v41 =	vld [tilespmem:$0x8F0]  }
0x1f5: {  	v0 =	vadd.f32 v39, v0  }
0x1f6: {  	v42 =	vld [tilespmem:$0x970]  }
0x1f7: {  	v0 =	vadd.f32 v40, v0  }
0x1f8: {  	v43 =	vld [tilespmem:$0x9F0]  }
0x1f9: {  	v0 =	vadd.f32 v41, v0  }
0x1fa: {  	v44 =	vld [tilespmem:$0xA70]  }
0x1fb: {  	v0 =	vadd.f32 v42, v0  }
0x1fc: {  	v45 =	vld [tilespmem:$0xAF0]  }
0x1fd: {  	v0 =	vadd.f32 v43, v0  }
0x1fe: {  	v46 =	vld [tilespmem:$0xB70]  }
0x1ff: {  	v0 =	vadd.f32 v44, v0  }
0x200: {  	v47 =	vld [tilespmem:$0xBF0]  }
0x201: {  	v0 =	vadd.f32 v45, v0  }
0x202: {  	v48 =	vld [tilespmem:$0xC70]  }
0x203: {  	v0 =	vadd.f32 v46, v0  }
0x204: {  	v49 =	vld [tilespmem:$0xCF0]  }
0x205: {  	v0 =	vadd.f32 v47, v0  }
0x206: {  	v50 =	vld [tilespmem:$0xD70]  }
0x207: {  	v0 =	vadd.f32 v48, v0  }
0x208: {  	v51 =	vld [tilespmem:$0xDF0]  }
0x209: {  	v0 =	vadd.f32 v49, v0  }
0x20a: {  	v52 =	vld [tilespmem:$0xE70]  }
0x20b: {  	v0 =	vadd.f32 v50, v0  }
0x20c: {  	v53 =	vld [tilespmem:$0xEF0]  }
0x20d: {  	v0 =	vadd.f32 v51, v0  }
0x20e: {  	v54 =	vld [tilespmem:$0xF70]  }
0x20f: {  	v0 =	vadd.f32 v52, v0  }
0x210: {  	v55 =	vld [tilespmem:$0xFF0]  }
0x211: {  	v0 =	vadd.f32 v53, v0  }
0x212: {  	v56 =	vld [tilespmem:$0x1070]  }
0x213: {  	v0 =	vadd.f32 v54, v0  }
0x214: {  	v57 =	vld [tilespmem:$0x10F0]  }
0x215: {  	v0 =	vadd.f32 v55, v0  }
0x216: {  	v58 =	vld [tilespmem:$0x1170]  }
0x217: {  	v0 =	vadd.f32 v56, v0  }
0x218: {  	v59 =	vld [tilespmem:$0x11F0]  }
0x219: {  	v0 =	vadd.f32 v57, v0  }
0x21a: {  	v60 =	vld [tilespmem:$0x1270]  }
0x21b: {  	v0 =	vadd.f32 v58, v0  }
0x21c: {  	v61 =	vld [tilespmem:$0x12F0]  }
0x21d: {  	v0 =	vadd.f32 v59, v0  }
0x21e: {  	v62 =	vld [tilespmem:$0x1370]  }
0x21f: {  	v0 =	vadd.f32 v60, v0  }
0x220: {  	v63 =	vld [tilespmem:$0x13F0]  }
0x221: {  	v0 =	vadd.f32 v61, v0;
	_ =	sdelay $0x1  }
0x222: {  	v0 =	vadd.f32 v62, v0  }
0x223: {  	p0 =	sne.s32 s14, $0xF80  }
.Ltmp0:
0x224: {  	v0 =	vadd.f32 v63, v0;
	(pc) =	sbr.rel @p0 .LBB2_2-.Ltmp0, $3  }
0x225: {  	_ = 	snop  }
0x226: {  	v0 =	vmul.f32 $3.125000000e-02, v0;
	_ =	sdelay $0x1  }
0x227: {  	s14 =	sadd.s32 $0x80, s14;
	[tilespmem:s13+$0x30] =	vst v0;
	s13 =	sadd.s32 $0x80, s13  }
0x228: {  	s12 =	sadd.s32 $0x1, s12  }
0x229: {  	p0 =	sne.s32 s12, s6  }
.Ltmp1:
0x22a: {  	_ = 	snop;
	(pc) =	sbr.rel @p0 .LBB2_1-.Ltmp1, $4  }
0x22b: {  	[hbm4b:s5+s3] =	stream.linear.scatter [tilespmem:s11], [sflag:$0x2], $0x1000, $0x38;
	[tilespmem:$0x2400] =	vst v63  }
0x22c: {  	_ =	swait.ge [sflag:s7], $0x1000  }
0x22d: {  	[sflag:s7] =	ssyncset.done $0x0  }
0x22e: {  	[sflag:s7] =	ssyncadd.s32 $0xFFFFF000  }
0x22f: {  	_ =	sfence.sel $0x180000  }
0x230: {  	[bflag:$0x0] =	sbarrier.arrive $0xFFFF  }
0x231: {  	p0 =	sne.s32 s2, $0x0;
	_ =	strace $0x90000047  }
0x232: {  	s0 =	sadd.s32 @!p0 $0x100000, s0;
	[bflag:$0x2] =	sbarrier.arrive $0xFFFF  }
0x233: {  	[sflag:s0] =	ssyncadd.tile.s32 @!p0 $0x1;
	_ =	shalt  }
.Lfunc_end2:
_tile_overlayer_lowered:
.L_overlay_start_2:
0x234: {  	(tag) =	ssettag $0x2  }
0x235: {  	s0 =	rddreg [dreg:$0x0];
	s2 =	stileid.u32  }
0x236: {  	s1 =	rddreg [dreg:$0x1];
	p0 =	sne.s32 s2, $0x0  }
0x237: {  	s3 =	rddreg [dreg:$0x2];
	[bflag:$0x3] =	sbarrier.arrive $0xFFFF;
	s2 =	simm.s32 @!p0 $0x1C02  }
0x238: {  	[timem:s3], [sflag:s2] =	dma.local @!p0 [hbm:s0], s1  }
0x239: {  	s0 =	simm.s32 @!p0 $0x2  }
0x23a: {  	_ =	swait.ge @!p0 [sflag:s0], s1  }
0x23b: {  	s1 =	ssub.s32 @!p0 $0x0, s1;
	[sflag:s0] =	ssyncset.done @!p0 $0x0  }
0x23c: {  	[sflag:s0] =	ssyncadd.s32 @!p0 s1  }
0x23d: {  	[bflag:$0x3] =	sbarrier.arrive $0xFFFF  }
0x23e: {  	_ =	shalt  }

</sc_bundles>
